<compile_context>
chip_gen: v7x
topology: tpu7x:2x2x1
jax: 0.10.2.dev20260603
libtpu: 0.0.44.dev20260713+nightly
codegen_flags: <defaults>
</compile_context>

<pallas_src>
import functools

import jax
import jax.numpy as jnp
from jax import lax
from jax.experimental import pallas as pl
from jax.experimental.pallas import tpu as pltpu
from jax.experimental.pallas import tpu_sc as plsc

N = 10000
N_PAD = 10240
E = 160000
D_IN = 256
D_HID = 512
D_OUT = 256

NUM_CORES = 2
NUM_SUBCORES = 16
EPW = E // NUM_SUBCORES
RPW = N_PAD // NUM_SUBCORES
CH = 80
NCHUNK = EPW // CH
DEGW = 128


def _sc_mesh():
    return plsc.VectorSubcoreMesh(core_axis_name="c", subcore_axis_name="s")


def _sc_degrees(src, dst, zeros_rows, ones_rows):

    @functools.partial(
        pl.kernel,
        out_type=(jax.ShapeDtypeStruct((N_PAD, DEGW), jnp.float32),
                  jax.ShapeDtypeStruct((N_PAD, DEGW), jnp.float32)),
        mesh=_sc_mesh(),
        scratch_types=[
            pltpu.VMEM_SHARED((N_PAD, DEGW), jnp.float32),
            pltpu.VMEM((CH,), jnp.int32),
            pltpu.VMEM((CH, DEGW), jnp.float32),
        ],
    )
    def deg_kernel(src_hbm, dst_hbm, zeros_hbm, ones_hbm,
                   dsrc_hbm, ddst_hbm, acc, idx, ones_v):
        cid = lax.axis_index("c")
        sid = lax.axis_index("s")
        pltpu.sync_copy(ones_hbm, ones_v)
        pltpu.sync_copy(zeros_hbm.at[pl.ds(sid * RPW, RPW)],
                        acc.at[pl.ds(sid * RPW, RPW)])
        plsc.subcore_barrier()

        def run(idx_hbm, out_hbm):
            def body(j, _):
                base = sid * EPW + j * CH
                pltpu.sync_copy(idx_hbm.at[pl.ds(pl.multiple_of(base, 8), CH)], idx)
                pltpu.sync_copy(ones_v, acc.at[idx], add=True)
                return 0
            lax.fori_loop(0, NCHUNK, body, 0)
            plsc.subcore_barrier()
            pltpu.sync_copy(acc.at[pl.ds(sid * RPW, RPW)],
                            out_hbm.at[pl.ds(sid * RPW, RPW)])

        @pl.when(cid == 0)
        def _():
            run(src_hbm, dsrc_hbm)

        @pl.when(cid == 1)
        def _():
            run(dst_hbm, ddst_hbm)

    return deg_kernel(src, dst, zeros_rows, ones_rows)


def _sc_aggregate(x_lo, x_hi, src, dst):

    @functools.partial(
        pl.kernel,
        out_type=(jax.ShapeDtypeStruct((N_PAD, 128), jnp.float32),
                  jax.ShapeDtypeStruct((N_PAD, 128), jnp.float32)),
        mesh=_sc_mesh(),
        scratch_types=[
            pltpu.VMEM_SHARED((N_PAD, 128), jnp.float32),
            pltpu.VMEM((CH,), jnp.int32),
            pltpu.VMEM((CH,), jnp.int32),
            pltpu.VMEM((CH, 128), jnp.float32),
            pltpu.SemaphoreType.DMA,
        ],
    )
    def agg_kernel(xlo_hbm, xhi_hbm, src_hbm, dst_hbm,
                   olo_hbm, ohi_hbm, acc, sidx, didx, rows, sem):
        cid = lax.axis_index("c")
        sid = lax.axis_index("s")

        def run(x_hbm, o_hbm):
            pltpu.sync_copy(x_hbm.at[pl.ds(sid * RPW, RPW)],
                            acc.at[pl.ds(sid * RPW, RPW)])
            plsc.subcore_barrier()

            def body(j, _):
                base = sid * EPW + j * CH
                pltpu.sync_copy(src_hbm.at[pl.ds(pl.multiple_of(base, 8), CH)], sidx)
                pltpu.sync_copy(dst_hbm.at[pl.ds(pl.multiple_of(base, 8), CH)], didx)
                pltpu.async_copy(x_hbm.at[sidx], rows, sem).wait()
                pltpu.sync_copy(rows, acc.at[didx], add=True)
                return 0
            lax.fori_loop(0, NCHUNK, body, 0)
            plsc.subcore_barrier()
            pltpu.sync_copy(acc.at[pl.ds(sid * RPW, RPW)],
                            o_hbm.at[pl.ds(sid * RPW, RPW)])

        @pl.when(cid == 0)
        def _():
            run(xlo_hbm, olo_hbm)

        @pl.when(cid == 1)
        def _():
            run(xhi_hbm, ohi_hbm)

    return agg_kernel(x_lo, x_hi, src, dst)


def _tc_prescale(feats, dsrc):
    BR = 2048

    def body(feats_ref, dsrc_ref, lo_ref, hi_ref):
        ns = lax.rsqrt(dsrc_ref[:, 0:1] + 1.0)
        xn = feats_ref[...] * ns
        lo_ref[...] = xn[:, :128]
        hi_ref[...] = xn[:, 128:]

    return pl.pallas_call(
        body,
        grid=(N_PAD // BR,),
        in_specs=[
            pl.BlockSpec((BR, D_IN), lambda r: (r, 0)),
            pl.BlockSpec((BR, DEGW), lambda r: (r, 0)),
        ],
        out_specs=[
            pl.BlockSpec((BR, 128), lambda r: (r, 0)),
            pl.BlockSpec((BR, 128), lambda r: (r, 0)),
        ],
        out_shape=(jax.ShapeDtypeStruct((N_PAD, 128), jnp.float32),
                   jax.ShapeDtypeStruct((N_PAD, 128), jnp.float32)),
    )(feats, dsrc)


def _tc_mid(alo, ahi, dsrc, ddst, W1, b1, W2):
    BR = 1024

    def body(alo_ref, ahi_ref, dsrc_ref, ddst_ref, W1_ref, b1_ref, W2_ref,
             glo_ref, ghi_ref):
        nd = lax.rsqrt(ddst_ref[:, 0:1] + 1.0)
        ns = lax.rsqrt(dsrc_ref[:, 0:1] + 1.0)
        a = jnp.concatenate([alo_ref[...], ahi_ref[...]], axis=1) * nd
        h = jnp.dot(a, W1_ref[...], preferred_element_type=jnp.float32)
        h = jnp.maximum(h + b1_ref[...], 0.0) * ns
        g = jnp.dot(h, W2_ref[...], preferred_element_type=jnp.float32)
        glo_ref[...] = g[:, :128]
        ghi_ref[...] = g[:, 128:]

    return pl.pallas_call(
        body,
        grid=(N_PAD // BR,),
        in_specs=[
            pl.BlockSpec((BR, 128), lambda r: (r, 0)),
            pl.BlockSpec((BR, 128), lambda r: (r, 0)),
            pl.BlockSpec((BR, DEGW), lambda r: (r, 0)),
            pl.BlockSpec((BR, DEGW), lambda r: (r, 0)),
            pl.BlockSpec((D_IN, D_HID), lambda r: (0, 0)),
            pl.BlockSpec((1, D_HID), lambda r: (0, 0)),
            pl.BlockSpec((D_HID, D_OUT), lambda r: (0, 0)),
        ],
        out_specs=[
            pl.BlockSpec((BR, 128), lambda r: (r, 0)),
            pl.BlockSpec((BR, 128), lambda r: (r, 0)),
        ],
        out_shape=(jax.ShapeDtypeStruct((N_PAD, 128), jnp.float32),
                   jax.ShapeDtypeStruct((N_PAD, 128), jnp.float32)),
    )(alo, ahi, dsrc, ddst, W1, b1, W2)


def _tc_final(blo, bhi, ddst, b2):
    BR = 2048

    def body(blo_ref, bhi_ref, ddst_ref, b2_ref, out_ref):
        nd = lax.rsqrt(ddst_ref[:, 0:1] + 1.0)
        agg = jnp.concatenate([blo_ref[...], bhi_ref[...]], axis=1)
        out_ref[...] = jnp.maximum(agg * nd + b2_ref[...], 0.0)

    return pl.pallas_call(
        body,
        grid=(N_PAD // BR,),
        in_specs=[
            pl.BlockSpec((BR, 128), lambda r: (r, 0)),
            pl.BlockSpec((BR, 128), lambda r: (r, 0)),
            pl.BlockSpec((BR, DEGW), lambda r: (r, 0)),
            pl.BlockSpec((1, D_OUT), lambda r: (0, 0)),
        ],
        out_specs=pl.BlockSpec((BR, D_OUT), lambda r: (r, 0)),
        out_shape=jax.ShapeDtypeStruct((N_PAD, D_OUT), jnp.float32),
    )(blo, bhi, ddst, b2)


def kernel(feats, edge_index, W1, b1, W2, b2):
    src = edge_index[0]
    dst = edge_index[1]
    feats_p = jnp.pad(feats, ((0, N_PAD - N), (0, 0)))
    zeros_rows = jnp.zeros((N_PAD, DEGW), jnp.float32)
    ones_rows = jnp.ones((CH, DEGW), jnp.float32)
    b1r = b1.reshape(1, D_HID)
    b2r = b2.reshape(1, D_OUT)

    dsrc, ddst = _sc_degrees(src, dst, zeros_rows, ones_rows)
    xlo, xhi = _tc_prescale(feats_p, dsrc)
    alo, ahi = _sc_aggregate(xlo, xhi, src, dst)
    glo, ghi = _tc_mid(alo, ahi, dsrc, ddst, W1, b1r, W2)
    blo, bhi = _sc_aggregate(glo, ghi, src, dst)
    return _tc_final(blo, bhi, ddst, b2r)[:N]

# --- scband reference (transcript-rebuilt; emitter-appended) ---
"""Pipeline reference for scband-secomm-grace-model-52853867544721 (READ-ONLY COPY).

The authoritative reference and input builder live on the scoring server;
editing this copy changes nothing except your own understanding.
"""

import jax, jax.numpy as jnp
import numpy as np

N = 10000
E = 160000
D_IN = 256
D_HID = 512
D_OUT = 256


def setup_inputs(seed: int = 0) -> dict:
    key = jax.random.key(seed)
    k1, k2, k3, k4 = jax.random.split(key, 4)
    feats = jax.random.normal(k1, (N, D_IN), dtype=jnp.float32)
    edge_index = jax.random.randint(k2, (2, E), 0, N, dtype=jnp.int32)
    W1 = jax.random.normal(k3, (D_IN, D_HID), dtype=jnp.float32) * 0.05
    b1 = jnp.zeros((D_HID,), dtype=jnp.float32)
    W2 = jax.random.normal(k4, (D_HID, D_OUT), dtype=jnp.float32) * 0.05
    b2 = jnp.zeros((D_OUT,), dtype=jnp.float32)
    return {"feats": feats, "edge_index": edge_index, "W1": W1, "b1": b1, "W2": W2, "b2": b2}


def _gcn_layer(x, src, dst, norm_src, norm_dst, W, b):
    # DGL GraphConv with norm='both': D^{-1/2} A D^{-1/2} X W, then activation
    h = x @ W
    h = h * norm_src[:, None]
    agg = jax.ops.segment_sum(h[src], dst, num_segments=N)
    agg = agg * norm_dst[:, None]
    return jax.nn.relu(agg + b)


def reference(feats, edge_index, W1, b1, W2, b2):
    # dgl.add_self_loop
    loops = jnp.arange(N, dtype=edge_index.dtype)
    src = jnp.concatenate([edge_index[0], loops])
    dst = jnp.concatenate([edge_index[1], loops])
    deg_out = jnp.bincount(src, length=N).astype(jnp.float32)
    deg_in = jnp.bincount(dst, length=N).astype(jnp.float32)
    norm_src = jax.lax.rsqrt(jnp.maximum(deg_out, 1.0))
    norm_dst = jax.lax.rsqrt(jnp.maximum(deg_in, 1.0))
    h = _gcn_layer(feats, src, dst, norm_src, norm_dst, W1, b1)
    h = _gcn_layer(h, src, dst, norm_src, norm_dst, W2, b2)
    return h

if __name__ == "__main__":
    import jax
    _d = setup_inputs()
    print(jax.jit(kernel)(*tuple(_d.values())))

</pallas_src>

<mosaic_0001>
#map = affine_map<(d0, d1) -> (0)>
#map1 = affine_map<(d0, d1) -> (0, 0)>
module attributes {stable_mosaic.version = 14 : i64} {
  func.func @deg_kernel(%arg0: i32, %arg1: i32, %arg2: memref<160000xi32, #tpu.memory_space<hbm>>, %arg3: memref<160000xi32, #tpu.memory_space<hbm>>, %arg4: memref<10240x128xf32, #tpu.memory_space<hbm>>, %arg5: memref<80x128xf32, #tpu.memory_space<hbm>>, %arg6: memref<10240x128xf32, #tpu.memory_space<hbm>>, %arg7: memref<10240x128xf32, #tpu.memory_space<hbm>>, %arg8: memref<10240x128xf32, #tpu.memory_space<vmem_shared>>, %arg9: memref<80xi32, #tpu.memory_space<vmem>>, %arg10: memref<80x128xf32, #tpu.memory_space<vmem>>) attributes {dimension_semantics = [#tpu.dimension_semantics<core_parallel>, #tpu.dimension_semantics<subcore_parallel>], iteration_bounds = array<i64: 2, 16>, scalar_prefetch = 0 : i64, scratch_operands = 3 : i64, tpu.core_type = #tpu.core_type<sc_vector_subcore>, window_params = [{transform_indices = #map}, {transform_indices = #map}, {transform_indices = #map1}, {transform_indices = #map1}, {transform_indices = #map1}, {transform_indices = #map1}]} {
    "tpu.region"() ({
      %run_scoped3A = tpu.sem_alloc : memref<!tpu.dma_semaphore, #tpu.memory_space<semaphore_mem>>
      tpu.enqueue_dma source(%arg5 : memref<80x128xf32, #tpu.memory_space<hbm>>) target(%arg10 : memref<80x128xf32, #tpu.memory_space<vmem>>) target_semaphore(%run_scoped3A : memref<!tpu.dma_semaphore, #tpu.memory_space<semaphore_mem>>)
      tpu.wait_dma2 semaphore(%run_scoped3A : memref<!tpu.dma_semaphore, #tpu.memory_space<semaphore_mem>>) src(%arg5 : memref<80x128xf32, #tpu.memory_space<hbm>>) dst(%arg10 : memref<80x128xf32, #tpu.memory_space<vmem>>)
      tpu.yield
    }) : () -> ()
    %mul3A = arith.constant 640 : i32
    %mul3A_0 = arith.muli %arg1, %mul3A : i32
    %mul3A_1 = arith.constant 640 : i32
    %mul3A_2 = arith.muli %arg1, %mul3A_1 : i32
    "tpu.region"() ({
      %run_scoped3A = tpu.sem_alloc : memref<!tpu.dma_semaphore, #tpu.memory_space<semaphore_mem>>
      %dma_start3A = arith.constant 0 : i32
      %dma_start3A_10 = tpu.memref_slice %arg8[%mul3A_2, %dma_start3A] : memref<10240x128xf32, #tpu.memory_space<vmem_shared>> -> memref<640x128xf32, #tpu.memory_space<vmem_shared>>
      %dma_start3A_11 = arith.constant 0 : i32
      %dma_start3A_12 = tpu.memref_slice %arg4[%mul3A_0, %dma_start3A_11] : memref<10240x128xf32, #tpu.memory_space<hbm>> -> memref<640x128xf32, #tpu.memory_space<hbm>>
      tpu.enqueue_dma source(%dma_start3A_12 : memref<640x128xf32, #tpu.memory_space<hbm>>) target(%dma_start3A_10 : memref<640x128xf32, #tpu.memory_space<vmem_shared>>) target_semaphore(%run_scoped3A : memref<!tpu.dma_semaphore, #tpu.memory_space<semaphore_mem>>)
      %dma_wait3A = arith.constant 0 : i32
      %dma_wait3A_13 = tpu.memref_slice %arg8[%mul3A_2, %dma_wait3A] : memref<10240x128xf32, #tpu.memory_space<vmem_shared>> -> memref<640x128xf32, #tpu.memory_space<vmem_shared>>
      %dma_wait3A_14 = arith.constant 0 : i32
      %dma_wait3A_15 = tpu.memref_slice %arg4[%mul3A_0, %dma_wait3A_14] : memref<10240x128xf32, #tpu.memory_space<hbm>> -> memref<640x128xf32, #tpu.memory_space<hbm>>
      tpu.wait_dma2 semaphore(%run_scoped3A : memref<!tpu.dma_semaphore, #tpu.memory_space<semaphore_mem>>) src(%dma_wait3A_15 : memref<640x128xf32, #tpu.memory_space<hbm>>) dst(%dma_wait3A_13 : memref<640x128xf32, #tpu.memory_space<vmem_shared>>)
      tpu.yield
    }) : () -> ()
    %barrier3A = arith.constant 0 : index
    tpu.barrier barrier_id(%barrier3A)
    %eq3A = arith.constant 0 : i32
    %eq3A_3 = arith.cmpi eq, %arg0, %eq3A : i32
    %convert_element_type3A = arith.extui %eq3A_3 : i1 to i32
    %cond3A = arith.constant 0 : i32
    %cond3A_4 = arith.cmpi ne, %convert_element_type3A, %cond3A : i32
    scf.if %cond3A_4 {
      %scan3A = arith.constant 0 : i32
      %scan3A_10 = arith.constant 0 : i32
      %scan3A_11 = arith.constant 125 : i32
      %scan3A_12 = arith.addi %scan3A_10, %scan3A_11 : i32
      %scan3A_13 = arith.constant 1 : i32
      %scan3A_14 = scf.for %scan3A_21 = %scan3A_10 to %scan3A_12 step %scan3A_13 iter_args(%scan3A_22 = %scan3A) -> (i32)  : i32 {
        %mul3A_23 = arith.constant 10000 : i32
        %mul3A_24 = arith.muli %arg1, %mul3A_23 : i32
        %mul3A_25 = arith.constant 80 : i32
        %mul3A_26 = arith.muli %scan3A_21, %mul3A_25 : i32
        %add3A = arith.addi %mul3A_24, %mul3A_26 : i32
        %multiple_of3A = tpu.assume_multiple %add3A, 8 : i32
        "tpu.region"() ({
          %run_scoped3A = tpu.sem_alloc : memref<!tpu.dma_semaphore, #tpu.memory_space<semaphore_mem>>
          %dma_start3A = tpu.memref_slice %arg2[%multiple_of3A] : memref<160000xi32, #tpu.memory_space<hbm>> -> memref<80xi32, #tpu.memory_space<hbm>>
          %dma_start3A_28 = tpu.memref_slice %arg2[%multiple_of3A] : memref<160000xi32, #tpu.memory_space<hbm>> -> memref<80xi32, #tpu.memory_space<hbm>>
          tpu.enqueue_dma source(%dma_start3A_28 : memref<80xi32, #tpu.memory_space<hbm>>) target(%arg9 : memref<80xi32, #tpu.memory_space<vmem>>) target_semaphore(%run_scoped3A : memref<!tpu.dma_semaphore, #tpu.memory_space<semaphore_mem>>)
          %dma_wait3A = tpu.memref_slice %arg2[%multiple_of3A] : memref<160000xi32, #tpu.memory_space<hbm>> -> memref<80xi32, #tpu.memory_space<hbm>>
          %dma_wait3A_29 = tpu.memref_slice %arg2[%multiple_of3A] : memref<160000xi32, #tpu.memory_space<hbm>> -> memref<80xi32, #tpu.memory_space<hbm>>
          tpu.wait_dma2 semaphore(%run_scoped3A : memref<!tpu.dma_semaphore, #tpu.memory_space<semaphore_mem>>) src(%dma_wait3A_29 : memref<80xi32, #tpu.memory_space<hbm>>) dst(%arg9 : memref<80xi32, #tpu.memory_space<vmem>>)
          tpu.yield
        }) : () -> ()
        "tpu.region"() ({
          %run_scoped3A = tpu.sem_alloc : memref<!tpu.dma_semaphore, #tpu.memory_space<semaphore_mem>>
          %dma_start3A = arith.constant 0 : i32
          %dma_start3A_28 = arith.constant 0 : i32
          %dma_start3A_29 = tpu.memref_slice %arg8[%dma_start3A, %dma_start3A_28] : memref<10240x128xf32, #tpu.memory_space<vmem_shared>> -> memref<10240x128xf32, #tpu.memory_space<vmem_shared>>
          tpu.enqueue_indirect_dma source(%arg10 : memref<80x128xf32, #tpu.memory_space<vmem>>) target(%dma_start3A_29 : memref<10240x128xf32, #tpu.memory_space<vmem_shared>>) offsets(%arg9 : memref<80xi32, #tpu.memory_space<vmem>>) semaphore(%run_scoped3A : memref<!tpu.dma_semaphore, #tpu.memory_space<semaphore_mem>>) {add = true}
          %dma_wait3A = arith.constant 0 : i32
          %dma_wait3A_30 = arith.constant 0 : i32
          %dma_wait3A_31 = tpu.memref_slice %arg8[%dma_wait3A, %dma_wait3A_30] : memref<10240x128xf32, #tpu.memory_space<vmem_shared>> -> memref<10240x128xf32, #tpu.memory_space<vmem_shared>>
          tpu.wait_indirect_dma semaphore(%run_scoped3A : memref<!tpu.dma_semaphore, #tpu.memory_space<semaphore_mem>>) src(%arg10 : memref<80x128xf32, #tpu.memory_space<vmem>>) dst(%dma_wait3A_31 : memref<10240x128xf32, #tpu.memory_space<vmem_shared>>)
          tpu.yield
        }) : () -> ()
        %scan3A_27 = arith.constant 0 : i32
        scf.yield %scan3A_27 : i32
      }
      %scan3A_15 = arith.constant 125 : i32
      %barrier3A_16 = arith.constant 0 : index
      tpu.barrier barrier_id(%barrier3A_16)
      %mul3A_17 = arith.constant 640 : i32
      %mul3A_18 = arith.muli %arg1, %mul3A_17 : i32
      %mul3A_19 = arith.constant 640 : i32
      %mul3A_20 = arith.muli %arg1, %mul3A_19 : i32
      "tpu.region"() ({
        %run_scoped3A = tpu.sem_alloc : memref<!tpu.dma_semaphore, #tpu.memory_space<semaphore_mem>>
        %dma_start3A = arith.constant 0 : i32
        %dma_start3A_21 = tpu.memref_slice %arg6[%mul3A_20, %dma_start3A] : memref<10240x128xf32, #tpu.memory_space<hbm>> -> memref<640x128xf32, #tpu.memory_space<hbm>>
        %dma_start3A_22 = arith.constant 0 : i32
        %dma_start3A_23 = tpu.memref_slice %arg8[%mul3A_18, %dma_start3A_22] : memref<10240x128xf32, #tpu.memory_space<vmem_shared>> -> memref<640x128xf32, #tpu.memory_space<vmem_shared>>
        tpu.enqueue_dma source(%dma_start3A_23 : memref<640x128xf32, #tpu.memory_space<vmem_shared>>) target(%dma_start3A_21 : memref<640x128xf32, #tpu.memory_space<hbm>>) target_semaphore(%run_scoped3A : memref<!tpu.dma_semaphore, #tpu.memory_space<semaphore_mem>>)
        %dma_wait3A = arith.constant 0 : i32
        %dma_wait3A_24 = tpu.memref_slice %arg6[%mul3A_20, %dma_wait3A] : memref<10240x128xf32, #tpu.memory_space<hbm>> -> memref<640x128xf32, #tpu.memory_space<hbm>>
        %dma_wait3A_25 = arith.constant 0 : i32
        %dma_wait3A_26 = tpu.memref_slice %arg8[%mul3A_18, %dma_wait3A_25] : memref<10240x128xf32, #tpu.memory_space<vmem_shared>> -> memref<640x128xf32, #tpu.memory_space<vmem_shared>>
        tpu.wait_dma2 semaphore(%run_scoped3A : memref<!tpu.dma_semaphore, #tpu.memory_space<semaphore_mem>>) src(%dma_wait3A_26 : memref<640x128xf32, #tpu.memory_space<vmem_shared>>) dst(%dma_wait3A_24 : memref<640x128xf32, #tpu.memory_space<hbm>>)
        tpu.yield
      }) : () -> ()
    } else {
    }
    %eq3A_5 = arith.constant 1 : i32
    %eq3A_6 = arith.cmpi eq, %arg0, %eq3A_5 : i32
    %convert_element_type3A_7 = arith.extui %eq3A_6 : i1 to i32
    %cond3A_8 = arith.constant 0 : i32
    %cond3A_9 = arith.cmpi ne, %convert_element_type3A_7, %cond3A_8 : i32
    scf.if %cond3A_9 {
      %scan3A = arith.constant 0 : i32
      %scan3A_10 = arith.constant 0 : i32
      %scan3A_11 = arith.constant 125 : i32
      %scan3A_12 = arith.addi %scan3A_10, %scan3A_11 : i32
      %scan3A_13 = arith.constant 1 : i32
      %scan3A_14 = scf.for %scan3A_21 = %scan3A_10 to %scan3A_12 step %scan3A_13 iter_args(%scan3A_22 = %scan3A) -> (i32)  : i32 {
        %mul3A_23 = arith.constant 10000 : i32
        %mul3A_24 = arith.muli %arg1, %mul3A_23 : i32
        %mul3A_25 = arith.constant 80 : i32
        %mul3A_26 = arith.muli %scan3A_21, %mul3A_25 : i32
        %add3A = arith.addi %mul3A_24, %mul3A_26 : i32
        %multiple_of3A = tpu.assume_multiple %add3A, 8 : i32
        "tpu.region"() ({
          %run_scoped3A = tpu.sem_alloc : memref<!tpu.dma_semaphore, #tpu.memory_space<semaphore_mem>>
          %dma_start3A = tpu.memref_slice %arg3[%multiple_of3A] : memref<160000xi32, #tpu.memory_space<hbm>> -> memref<80xi32, #tpu.memory_space<hbm>>
          %dma_start3A_28 = tpu.memref_slice %arg3[%multiple_of3A] : memref<160000xi32, #tpu.memory_space<hbm>> -> memref<80xi32, #tpu.memory_space<hbm>>
          tpu.enqueue_dma source(%dma_start3A_28 : memref<80xi32, #tpu.memory_space<hbm>>) target(%arg9 : memref<80xi32, #tpu.memory_space<vmem>>) target_semaphore(%run_scoped3A : memref<!tpu.dma_semaphore, #tpu.memory_space<semaphore_mem>>)
          %dma_wait3A = tpu.memref_slice %arg3[%multiple_of3A] : memref<160000xi32, #tpu.memory_space<hbm>> -> memref<80xi32, #tpu.memory_space<hbm>>
          %dma_wait3A_29 = tpu.memref_slice %arg3[%multiple_of3A] : memref<160000xi32, #tpu.memory_space<hbm>> -> memref<80xi32, #tpu.memory_space<hbm>>
          tpu.wait_dma2 semaphore(%run_scoped3A : memref<!tpu.dma_semaphore, #tpu.memory_space<semaphore_mem>>) src(%dma_wait3A_29 : memref<80xi32, #tpu.memory_space<hbm>>) dst(%arg9 : memref<80xi32, #tpu.memory_space<vmem>>)
          tpu.yield
        }) : () -> ()
        "tpu.region"() ({
          %run_scoped3A = tpu.sem_alloc : memref<!tpu.dma_semaphore, #tpu.memory_space<semaphore_mem>>
          %dma_start3A = arith.constant 0 : i32
          %dma_start3A_28 = arith.constant 0 : i32
          %dma_start3A_29 = tpu.memref_slice %arg8[%dma_start3A, %dma_start3A_28] : memref<10240x128xf32, #tpu.memory_space<vmem_shared>> -> memref<10240x128xf32, #tpu.memory_space<vmem_shared>>
          tpu.enqueue_indirect_dma source(%arg10 : memref<80x128xf32, #tpu.memory_space<vmem>>) target(%dma_start3A_29 : memref<10240x128xf32, #tpu.memory_space<vmem_shared>>) offsets(%arg9 : memref<80xi32, #tpu.memory_space<vmem>>) semaphore(%run_scoped3A : memref<!tpu.dma_semaphore, #tpu.memory_space<semaphore_mem>>) {add = true}
          %dma_wait3A = arith.constant 0 : i32
          %dma_wait3A_30 = arith.constant 0 : i32
          %dma_wait3A_31 = tpu.memref_slice %arg8[%dma_wait3A, %dma_wait3A_30] : memref<10240x128xf32, #tpu.memory_space<vmem_shared>> -> memref<10240x128xf32, #tpu.memory_space<vmem_shared>>
          tpu.wait_indirect_dma semaphore(%run_scoped3A : memref<!tpu.dma_semaphore, #tpu.memory_space<semaphore_mem>>) src(%arg10 : memref<80x128xf32, #tpu.memory_space<vmem>>) dst(%dma_wait3A_31 : memref<10240x128xf32, #tpu.memory_space<vmem_shared>>)
          tpu.yield
        }) : () -> ()
        %scan3A_27 = arith.constant 0 : i32
        scf.yield %scan3A_27 : i32
      }
      %scan3A_15 = arith.constant 125 : i32
      %barrier3A_16 = arith.constant 0 : index
      tpu.barrier barrier_id(%barrier3A_16)
      %mul3A_17 = arith.constant 640 : i32
      %mul3A_18 = arith.muli %arg1, %mul3A_17 : i32
      %mul3A_19 = arith.constant 640 : i32
      %mul3A_20 = arith.muli %arg1, %mul3A_19 : i32
      "tpu.region"() ({
        %run_scoped3A = tpu.sem_alloc : memref<!tpu.dma_semaphore, #tpu.memory_space<semaphore_mem>>
        %dma_start3A = arith.constant 0 : i32
        %dma_start3A_21 = tpu.memref_slice %arg7[%mul3A_20, %dma_start3A] : memref<10240x128xf32, #tpu.memory_space<hbm>> -> memref<640x128xf32, #tpu.memory_space<hbm>>
        %dma_start3A_22 = arith.constant 0 : i32
        %dma_start3A_23 = tpu.memref_slice %arg8[%mul3A_18, %dma_start3A_22] : memref<10240x128xf32, #tpu.memory_space<vmem_shared>> -> memref<640x128xf32, #tpu.memory_space<vmem_shared>>
        tpu.enqueue_dma source(%dma_start3A_23 : memref<640x128xf32, #tpu.memory_space<vmem_shared>>) target(%dma_start3A_21 : memref<640x128xf32, #tpu.memory_space<hbm>>) target_semaphore(%run_scoped3A : memref<!tpu.dma_semaphore, #tpu.memory_space<semaphore_mem>>)
        %dma_wait3A = arith.constant 0 : i32
        %dma_wait3A_24 = tpu.memref_slice %arg7[%mul3A_20, %dma_wait3A] : memref<10240x128xf32, #tpu.memory_space<hbm>> -> memref<640x128xf32, #tpu.memory_space<hbm>>
        %dma_wait3A_25 = arith.constant 0 : i32
        %dma_wait3A_26 = tpu.memref_slice %arg8[%mul3A_18, %dma_wait3A_25] : memref<10240x128xf32, #tpu.memory_space<vmem_shared>> -> memref<640x128xf32, #tpu.memory_space<vmem_shared>>
        tpu.wait_dma2 semaphore(%run_scoped3A : memref<!tpu.dma_semaphore, #tpu.memory_space<semaphore_mem>>) src(%dma_wait3A_26 : memref<640x128xf32, #tpu.memory_space<vmem_shared>>) dst(%dma_wait3A_24 : memref<640x128xf32, #tpu.memory_space<hbm>>)
        tpu.yield
      }) : () -> ()
    } else {
    }
    return
  }
}

#map = affine_map<(d0, d1) -> (0, 0)>
#map1 = affine_map<(d0, d1) -> (0)>
module attributes {stable_mosaic.version = 14 : i64} {
  func.func @agg_kernel(%arg0: i32, %arg1: i32, %arg2: memref<10240x128xf32, #tpu.memory_space<hbm>>, %arg3: memref<10240x128xf32, #tpu.memory_space<hbm>>, %arg4: memref<160000xi32, #tpu.memory_space<hbm>>, %arg5: memref<160000xi32, #tpu.memory_space<hbm>>, %arg6: memref<10240x128xf32, #tpu.memory_space<hbm>>, %arg7: memref<10240x128xf32, #tpu.memory_space<hbm>>, %arg8: memref<10240x128xf32, #tpu.memory_space<vmem_shared>>, %arg9: memref<80xi32, #tpu.memory_space<vmem>>, %arg10: memref<80xi32, #tpu.memory_space<vmem>>, %arg11: memref<80x128xf32, #tpu.memory_space<vmem>>, %arg12: memref<!tpu.dma_semaphore, #tpu.memory_space<semaphore_mem>>) attributes {dimension_semantics = [#tpu.dimension_semantics<core_parallel>, #tpu.dimension_semantics<subcore_parallel>], iteration_bounds = array<i64: 2, 16>, scalar_prefetch = 0 : i64, scratch_operands = 5 : i64, tpu.core_type = #tpu.core_type<sc_vector_subcore>, window_params = [{transform_indices = #map}, {transform_indices = #map}, {transform_indices = #map1}, {transform_indices = #map1}, {transform_indices = #map}, {transform_indices = #map}]} {
    %eq3A = arith.constant 0 : i32
    %eq3A_0 = arith.cmpi eq, %arg0, %eq3A : i32
    %convert_element_type3A = arith.extui %eq3A_0 : i1 to i32
    %cond3A = arith.constant 0 : i32
    %cond3A_1 = arith.cmpi ne, %convert_element_type3A, %cond3A : i32
    scf.if %cond3A_1 {
      %mul3A = arith.constant 640 : i32
      %mul3A_7 = arith.muli %arg1, %mul3A : i32
      %mul3A_8 = arith.constant 640 : i32
      %mul3A_9 = arith.muli %arg1, %mul3A_8 : i32
      "tpu.region"() ({
        %run_scoped3A = tpu.sem_alloc : memref<!tpu.dma_semaphore, #tpu.memory_space<semaphore_mem>>
        %dma_start3A = arith.constant 0 : i32
        %dma_start3A_21 = tpu.memref_slice %arg8[%mul3A_9, %dma_start3A] : memref<10240x128xf32, #tpu.memory_space<vmem_shared>> -> memref<640x128xf32, #tpu.memory_space<vmem_shared>>
        %dma_start3A_22 = arith.constant 0 : i32
        %dma_start3A_23 = tpu.memref_slice %arg2[%mul3A_7, %dma_start3A_22] : memref<10240x128xf32, #tpu.memory_space<hbm>> -> memref<640x128xf32, #tpu.memory_space<hbm>>
        tpu.enqueue_dma source(%dma_start3A_23 : memref<640x128xf32, #tpu.memory_space<hbm>>) target(%dma_start3A_21 : memref<640x128xf32, #tpu.memory_space<vmem_shared>>) target_semaphore(%run_scoped3A : memref<!tpu.dma_semaphore, #tpu.memory_space<semaphore_mem>>)
        %dma_wait3A = arith.constant 0 : i32
        %dma_wait3A_24 = tpu.memref_slice %arg8[%mul3A_9, %dma_wait3A] : memref<10240x128xf32, #tpu.memory_space<vmem_shared>> -> memref<640x128xf32, #tpu.memory_space<vmem_shared>>
        %dma_wait3A_25 = arith.constant 0 : i32
        %dma_wait3A_26 = tpu.memref_slice %arg2[%mul3A_7, %dma_wait3A_25] : memref<10240x128xf32, #tpu.memory_space<hbm>> -> memref<640x128xf32, #tpu.memory_space<hbm>>
        tpu.wait_dma2 semaphore(%run_scoped3A : memref<!tpu.dma_semaphore, #tpu.memory_space<semaphore_mem>>) src(%dma_wait3A_26 : memref<640x128xf32, #tpu.memory_space<hbm>>) dst(%dma_wait3A_24 : memref<640x128xf32, #tpu.memory_space<vmem_shared>>)
        tpu.yield
      }) : () -> ()
      %barrier3A = arith.constant 0 : index
      tpu.barrier barrier_id(%barrier3A)
      %scan3A = arith.constant 0 : i32
      %scan3A_10 = arith.constant 0 : i32
      %scan3A_11 = arith.constant 125 : i32
      %scan3A_12 = arith.addi %scan3A_10, %scan3A_11 : i32
      %scan3A_13 = arith.constant 1 : i32
      %scan3A_14 = scf.for %scan3A_21 = %scan3A_10 to %scan3A_12 step %scan3A_13 iter_args(%scan3A_22 = %scan3A) -> (i32)  : i32 {
        %mul3A_23 = arith.constant 10000 : i32
        %mul3A_24 = arith.muli %arg1, %mul3A_23 : i32
        %mul3A_25 = arith.constant 80 : i32
        %mul3A_26 = arith.muli %scan3A_21, %mul3A_25 : i32
        %add3A = arith.addi %mul3A_24, %mul3A_26 : i32
        %multiple_of3A = tpu.assume_multiple %add3A, 8 : i32
        "tpu.region"() ({
          %run_scoped3A = tpu.sem_alloc : memref<!tpu.dma_semaphore, #tpu.memory_space<semaphore_mem>>
          %dma_start3A_33 = tpu.memref_slice %arg4[%multiple_of3A] : memref<160000xi32, #tpu.memory_space<hbm>> -> memref<80xi32, #tpu.memory_space<hbm>>
          %dma_start3A_34 = tpu.memref_slice %arg4[%multiple_of3A] : memref<160000xi32, #tpu.memory_space<hbm>> -> memref<80xi32, #tpu.memory_space<hbm>>
          tpu.enqueue_dma source(%dma_start3A_34 : memref<80xi32, #tpu.memory_space<hbm>>) target(%arg9 : memref<80xi32, #tpu.memory_space<vmem>>) target_semaphore(%run_scoped3A : memref<!tpu.dma_semaphore, #tpu.memory_space<semaphore_mem>>)
          %dma_wait3A_35 = tpu.memref_slice %arg4[%multiple_of3A] : memref<160000xi32, #tpu.memory_space<hbm>> -> memref<80xi32, #tpu.memory_space<hbm>>
          %dma_wait3A_36 = tpu.memref_slice %arg4[%multiple_of3A] : memref<160000xi32, #tpu.memory_space<hbm>> -> memref<80xi32, #tpu.memory_space<hbm>>
          tpu.wait_dma2 semaphore(%run_scoped3A : memref<!tpu.dma_semaphore, #tpu.memory_space<semaphore_mem>>) src(%dma_wait3A_36 : memref<80xi32, #tpu.memory_space<hbm>>) dst(%arg9 : memref<80xi32, #tpu.memory_space<vmem>>)
          tpu.yield
        }) : () -> ()
        %multiple_of3A_27 = tpu.assume_multiple %add3A, 8 : i32
        "tpu.region"() ({
          %run_scoped3A = tpu.sem_alloc : memref<!tpu.dma_semaphore, #tpu.memory_space<semaphore_mem>>
          %dma_start3A_33 = tpu.memref_slice %arg5[%multiple_of3A_27] : memref<160000xi32, #tpu.memory_space<hbm>> -> memref<80xi32, #tpu.memory_space<hbm>>
          %dma_start3A_34 = tpu.memref_slice %arg5[%multiple_of3A_27] : memref<160000xi32, #tpu.memory_space<hbm>> -> memref<80xi32, #tpu.memory_space<hbm>>
          tpu.enqueue_dma source(%dma_start3A_34 : memref<80xi32, #tpu.memory_space<hbm>>) target(%arg10 : memref<80xi32, #tpu.memory_space<vmem>>) target_semaphore(%run_scoped3A : memref<!tpu.dma_semaphore, #tpu.memory_space<semaphore_mem>>)
          %dma_wait3A_35 = tpu.memref_slice %arg5[%multiple_of3A_27] : memref<160000xi32, #tpu.memory_space<hbm>> -> memref<80xi32, #tpu.memory_space<hbm>>
          %dma_wait3A_36 = tpu.memref_slice %arg5[%multiple_of3A_27] : memref<160000xi32, #tpu.memory_space<hbm>> -> memref<80xi32, #tpu.memory_space<hbm>>
          tpu.wait_dma2 semaphore(%run_scoped3A : memref<!tpu.dma_semaphore, #tpu.memory_space<semaphore_mem>>) src(%dma_wait3A_36 : memref<80xi32, #tpu.memory_space<hbm>>) dst(%arg10 : memref<80xi32, #tpu.memory_space<vmem>>)
          tpu.yield
        }) : () -> ()
        %dma_start3A = arith.constant 0 : i32
        %dma_start3A_28 = arith.constant 0 : i32
        %dma_start3A_29 = tpu.memref_slice %arg2[%dma_start3A, %dma_start3A_28] : memref<10240x128xf32, #tpu.memory_space<hbm>> -> memref<10240x128xf32, #tpu.memory_space<hbm>>
        tpu.enqueue_indirect_dma source(%dma_start3A_29 : memref<10240x128xf32, #tpu.memory_space<hbm>>) target(%arg11 : memref<80x128xf32, #tpu.memory_space<vmem>>) offsets(%arg9 : memref<80xi32, #tpu.memory_space<vmem>>) semaphore(%arg12 : memref<!tpu.dma_semaphore, #tpu.memory_space<semaphore_mem>>)
        %dma_wait3A = arith.constant 0 : i32
        %dma_wait3A_30 = arith.constant 0 : i32
        %dma_wait3A_31 = tpu.memref_slice %arg2[%dma_wait3A, %dma_wait3A_30] : memref<10240x128xf32, #tpu.memory_space<hbm>> -> memref<10240x128xf32, #tpu.memory_space<hbm>>
        tpu.wait_indirect_dma semaphore(%arg12 : memref<!tpu.dma_semaphore, #tpu.memory_space<semaphore_mem>>) src(%dma_wait3A_31 : memref<10240x128xf32, #tpu.memory_space<hbm>>) dst(%arg11 : memref<80x128xf32, #tpu.memory_space<vmem>>)
        "tpu.region"() ({
          %run_scoped3A = tpu.sem_alloc : memref<!tpu.dma_semaphore, #tpu.memory_space<semaphore_mem>>
          %dma_start3A_33 = arith.constant 0 : i32
          %dma_start3A_34 = arith.constant 0 : i32
          %dma_start3A_35 = tpu.memref_slice %arg8[%dma_start3A_33, %dma_start3A_34] : memref<10240x128xf32, #tpu.memory_space<vmem_shared>> -> memref<10240x128xf32, #tpu.memory_space<vmem_shared>>
          tpu.enqueue_indirect_dma source(%arg11 : memref<80x128xf32, #tpu.memory_space<vmem>>) target(%dma_start3A_35 : memref<10240x128xf32, #tpu.memory_space<vmem_shared>>) offsets(%arg10 : memref<80xi32, #tpu.memory_space<vmem>>) semaphore(%run_scoped3A : memref<!tpu.dma_semaphore, #tpu.memory_space<semaphore_mem>>) {add = true}
          %dma_wait3A_36 = arith.constant 0 : i32
          %dma_wait3A_37 = arith.constant 0 : i32
          %dma_wait3A_38 = tpu.memref_slice %arg8[%dma_wait3A_36, %dma_wait3A_37] : memref<10240x128xf32, #tpu.memory_space<vmem_shared>> -> memref<10240x128xf32, #tpu.memory_space<vmem_shared>>
          tpu.wait_indirect_dma semaphore(%run_scoped3A : memref<!tpu.dma_semaphore, #tpu.memory_space<semaphore_mem>>) src(%arg11 : memref<80x128xf32, #tpu.memory_space<vmem>>) dst(%dma_wait3A_38 : memref<10240x128xf32, #tpu.memory_space<vmem_shared>>)
          tpu.yield
        }) : () -> ()
        %scan3A_32 = arith.constant 0 : i32
        scf.yield %scan3A_32 : i32
      }
      %scan3A_15 = arith.constant 125 : i32
      %barrier3A_16 = arith.constant 0 : index
      tpu.barrier barrier_id(%barrier3A_16)
      %mul3A_17 = arith.constant 640 : i32
      %mul3A_18 = arith.muli %arg1, %mul3A_17 : i32
      %mul3A_19 = arith.constant 640 : i32
      %mul3A_20 = arith.muli %arg1, %mul3A_19 : i32
      "tpu.region"() ({
        %run_scoped3A = tpu.sem_alloc : memref<!tpu.dma_semaphore, #tpu.memory_space<semaphore_mem>>
        %dma_start3A = arith.constant 0 : i32
        %dma_start3A_21 = tpu.memref_slice %arg6[%mul3A_20, %dma_start3A] : memref<10240x128xf32, #tpu.memory_space<hbm>> -> memref<640x128xf32, #tpu.memory_space<hbm>>
        %dma_start3A_22 = arith.constant 0 : i32
        %dma_start3A_23 = tpu.memref_slice %arg8[%mul3A_18, %dma_start3A_22] : memref<10240x128xf32, #tpu.memory_space<vmem_shared>> -> memref<640x128xf32, #tpu.memory_space<vmem_shared>>
        tpu.enqueue_dma source(%dma_start3A_23 : memref<640x128xf32, #tpu.memory_space<vmem_shared>>) target(%dma_start3A_21 : memref<640x128xf32, #tpu.memory_space<hbm>>) target_semaphore(%run_scoped3A : memref<!tpu.dma_semaphore, #tpu.memory_space<semaphore_mem>>)
        %dma_wait3A = arith.constant 0 : i32
        %dma_wait3A_24 = tpu.memref_slice %arg6[%mul3A_20, %dma_wait3A] : memref<10240x128xf32, #tpu.memory_space<hbm>> -> memref<640x128xf32, #tpu.memory_space<hbm>>
        %dma_wait3A_25 = arith.constant 0 : i32
        %dma_wait3A_26 = tpu.memref_slice %arg8[%mul3A_18, %dma_wait3A_25] : memref<10240x128xf32, #tpu.memory_space<vmem_shared>> -> memref<640x128xf32, #tpu.memory_space<vmem_shared>>
        tpu.wait_dma2 semaphore(%run_scoped3A : memref<!tpu.dma_semaphore, #tpu.memory_space<semaphore_mem>>) src(%dma_wait3A_26 : memref<640x128xf32, #tpu.memory_space<vmem_shared>>) dst(%dma_wait3A_24 : memref<640x128xf32, #tpu.memory_space<hbm>>)
        tpu.yield
      }) : () -> ()
    } else {
    }
    %eq3A_2 = arith.constant 1 : i32
    %eq3A_3 = arith.cmpi eq, %arg0, %eq3A_2 : i32
    %convert_element_type3A_4 = arith.extui %eq3A_3 : i1 to i32
    %cond3A_5 = arith.constant 0 : i32
    %cond3A_6 = arith.cmpi ne, %convert_element_type3A_4, %cond3A_5 : i32
    scf.if %cond3A_6 {
      %mul3A = arith.constant 640 : i32
      %mul3A_7 = arith.muli %arg1, %mul3A : i32
      %mul3A_8 = arith.constant 640 : i32
      %mul3A_9 = arith.muli %arg1, %mul3A_8 : i32
      "tpu.region"() ({
        %run_scoped3A = tpu.sem_alloc : memref<!tpu.dma_semaphore, #tpu.memory_space<semaphore_mem>>
        %dma_start3A = arith.constant 0 : i32
        %dma_start3A_21 = tpu.memref_slice %arg8[%mul3A_9, %dma_start3A] : memref<10240x128xf32, #tpu.memory_space<vmem_shared>> -> memref<640x128xf32, #tpu.memory_space<vmem_shared>>
        %dma_start3A_22 = arith.constant 0 : i32
        %dma_start3A_23 = tpu.memref_slice %arg3[%mul3A_7, %dma_start3A_22] : memref<10240x128xf32, #tpu.memory_space<hbm>> -> memref<640x128xf32, #tpu.memory_space<hbm>>
        tpu.enqueue_dma source(%dma_start3A_23 : memref<640x128xf32, #tpu.memory_space<hbm>>) target(%dma_start3A_21 : memref<640x128xf32, #tpu.memory_space<vmem_shared>>) target_semaphore(%run_scoped3A : memref<!tpu.dma_semaphore, #tpu.memory_space<semaphore_mem>>)
        %dma_wait3A = arith.constant 0 : i32
        %dma_wait3A_24 = tpu.memref_slice %arg8[%mul3A_9, %dma_wait3A] : memref<10240x128xf32, #tpu.memory_space<vmem_shared>> -> memref<640x128xf32, #tpu.memory_space<vmem_shared>>
        %dma_wait3A_25 = arith.constant 0 : i32
        %dma_wait3A_26 = tpu.memref_slice %arg3[%mul3A_7, %dma_wait3A_25] : memref<10240x128xf32, #tpu.memory_space<hbm>> -> memref<640x128xf32, #tpu.memory_space<hbm>>
        tpu.wait_dma2 semaphore(%run_scoped3A : memref<!tpu.dma_semaphore, #tpu.memory_space<semaphore_mem>>) src(%dma_wait3A_26 : memref<640x128xf32, #tpu.memory_space<hbm>>) dst(%dma_wait3A_24 : memref<640x128xf32, #tpu.memory_space<vmem_shared>>)
        tpu.yield
      }) : () -> ()
      %barrier3A = arith.constant 0 : index
      tpu.barrier barrier_id(%barrier3A)
      %scan3A = arith.constant 0 : i32
      %scan3A_10 = arith.constant 0 : i32
      %scan3A_11 = arith.constant 125 : i32
      %scan3A_12 = arith.addi %scan3A_10, %scan3A_11 : i32
      %scan3A_13 = arith.constant 1 : i32
      %scan3A_14 = scf.for %scan3A_21 = %scan3A_10 to %scan3A_12 step %scan3A_13 iter_args(%scan3A_22 = %scan3A) -> (i32)  : i32 {
        %mul3A_23 = arith.constant 10000 : i32
        %mul3A_24 = arith.muli %arg1, %mul3A_23 : i32
        %mul3A_25 = arith.constant 80 : i32
        %mul3A_26 = arith.muli %scan3A_21, %mul3A_25 : i32
        %add3A = arith.addi %mul3A_24, %mul3A_26 : i32
        %multiple_of3A = tpu.assume_multiple %add3A, 8 : i32
        "tpu.region"() ({
          %run_scoped3A = tpu.sem_alloc : memref<!tpu.dma_semaphore, #tpu.memory_space<semaphore_mem>>
          %dma_start3A_33 = tpu.memref_slice %arg4[%multiple_of3A] : memref<160000xi32, #tpu.memory_space<hbm>> -> memref<80xi32, #tpu.memory_space<hbm>>
          %dma_start3A_34 = tpu.memref_slice %arg4[%multiple_of3A] : memref<160000xi32, #tpu.memory_space<hbm>> -> memref<80xi32, #tpu.memory_space<hbm>>
          tpu.enqueue_dma source(%dma_start3A_34 : memref<80xi32, #tpu.memory_space<hbm>>) target(%arg9 : memref<80xi32, #tpu.memory_space<vmem>>) target_semaphore(%run_scoped3A : memref<!tpu.dma_semaphore, #tpu.memory_space<semaphore_mem>>)
          %dma_wait3A_35 = tpu.memref_slice %arg4[%multiple_of3A] : memref<160000xi32, #tpu.memory_space<hbm>> -> memref<80xi32, #tpu.memory_space<hbm>>
          %dma_wait3A_36 = tpu.memref_slice %arg4[%multiple_of3A] : memref<160000xi32, #tpu.memory_space<hbm>> -> memref<80xi32, #tpu.memory_space<hbm>>
          tpu.wait_dma2 semaphore(%run_scoped3A : memref<!tpu.dma_semaphore, #tpu.memory_space<semaphore_mem>>) src(%dma_wait3A_36 : memref<80xi32, #tpu.memory_space<hbm>>) dst(%arg9 : memref<80xi32, #tpu.memory_space<vmem>>)
          tpu.yield
        }) : () -> ()
        %multiple_of3A_27 = tpu.assume_multiple %add3A, 8 : i32
        "tpu.region"() ({
          %run_scoped3A = tpu.sem_alloc : memref<!tpu.dma_semaphore, #tpu.memory_space<semaphore_mem>>
          %dma_start3A_33 = tpu.memref_slice %arg5[%multiple_of3A_27] : memref<160000xi32, #tpu.memory_space<hbm>> -> memref<80xi32, #tpu.memory_space<hbm>>
          %dma_start3A_34 = tpu.memref_slice %arg5[%multiple_of3A_27] : memref<160000xi32, #tpu.memory_space<hbm>> -> memref<80xi32, #tpu.memory_space<hbm>>
          tpu.enqueue_dma source(%dma_start3A_34 : memref<80xi32, #tpu.memory_space<hbm>>) target(%arg10 : memref<80xi32, #tpu.memory_space<vmem>>) target_semaphore(%run_scoped3A : memref<!tpu.dma_semaphore, #tpu.memory_space<semaphore_mem>>)
          %dma_wait3A_35 = tpu.memref_slice %arg5[%multiple_of3A_27] : memref<160000xi32, #tpu.memory_space<hbm>> -> memref<80xi32, #tpu.memory_space<hbm>>
          %dma_wait3A_36 = tpu.memref_slice %arg5[%multiple_of3A_27] : memref<160000xi32, #tpu.memory_space<hbm>> -> memref<80xi32, #tpu.memory_space<hbm>>
          tpu.wait_dma2 semaphore(%run_scoped3A : memref<!tpu.dma_semaphore, #tpu.memory_space<semaphore_mem>>) src(%dma_wait3A_36 : memref<80xi32, #tpu.memory_space<hbm>>) dst(%arg10 : memref<80xi32, #tpu.memory_space<vmem>>)
          tpu.yield
        }) : () -> ()
        %dma_start3A = arith.constant 0 : i32
        %dma_start3A_28 = arith.constant 0 : i32
        %dma_start3A_29 = tpu.memref_slice %arg3[%dma_start3A, %dma_start3A_28] : memref<10240x128xf32, #tpu.memory_space<hbm>> -> memref<10240x128xf32, #tpu.memory_space<hbm>>
        tpu.enqueue_indirect_dma source(%dma_start3A_29 : memref<10240x128xf32, #tpu.memory_space<hbm>>) target(%arg11 : memref<80x128xf32, #tpu.memory_space<vmem>>) offsets(%arg9 : memref<80xi32, #tpu.memory_space<vmem>>) semaphore(%arg12 : memref<!tpu.dma_semaphore, #tpu.memory_space<semaphore_mem>>)
        %dma_wait3A = arith.constant 0 : i32
        %dma_wait3A_30 = arith.constant 0 : i32
        %dma_wait3A_31 = tpu.memref_slice %arg3[%dma_wait3A, %dma_wait3A_30] : memref<10240x128xf32, #tpu.memory_space<hbm>> -> memref<10240x128xf32, #tpu.memory_space<hbm>>
        tpu.wait_indirect_dma semaphore(%arg12 : memref<!tpu.dma_semaphore, #tpu.memory_space<semaphore_mem>>) src(%dma_wait3A_31 : memref<10240x128xf32, #tpu.memory_space<hbm>>) dst(%arg11 : memref<80x128xf32, #tpu.memory_space<vmem>>)
        "tpu.region"() ({
          %run_scoped3A = tpu.sem_alloc : memref<!tpu.dma_semaphore, #tpu.memory_space<semaphore_mem>>
          %dma_start3A_33 = arith.constant 0 : i32
          %dma_start3A_34 = arith.constant 0 : i32
          %dma_start3A_35 = tpu.memref_slice %arg8[%dma_start3A_33, %dma_start3A_34] : memref<10240x128xf32, #tpu.memory_space<vmem_shared>> -> memref<10240x128xf32, #tpu.memory_space<vmem_shared>>
          tpu.enqueue_indirect_dma source(%arg11 : memref<80x128xf32, #tpu.memory_space<vmem>>) target(%dma_start3A_35 : memref<10240x128xf32, #tpu.memory_space<vmem_shared>>) offsets(%arg10 : memref<80xi32, #tpu.memory_space<vmem>>) semaphore(%run_scoped3A : memref<!tpu.dma_semaphore, #tpu.memory_space<semaphore_mem>>) {add = true}
          %dma_wait3A_36 = arith.constant 0 : i32
          %dma_wait3A_37 = arith.constant 0 : i32
          %dma_wait3A_38 = tpu.memref_slice %arg8[%dma_wait3A_36, %dma_wait3A_37] : memref<10240x128xf32, #tpu.memory_space<vmem_shared>> -> memref<10240x128xf32, #tpu.memory_space<vmem_shared>>
          tpu.wait_indirect_dma semaphore(%run_scoped3A : memref<!tpu.dma_semaphore, #tpu.memory_space<semaphore_mem>>) src(%arg11 : memref<80x128xf32, #tpu.memory_space<vmem>>) dst(%dma_wait3A_38 : memref<10240x128xf32, #tpu.memory_space<vmem_shared>>)
          tpu.yield
        }) : () -> ()
        %scan3A_32 = arith.constant 0 : i32
        scf.yield %scan3A_32 : i32
      }
      %scan3A_15 = arith.constant 125 : i32
      %barrier3A_16 = arith.constant 0 : index
      tpu.barrier barrier_id(%barrier3A_16)
      %mul3A_17 = arith.constant 640 : i32
      %mul3A_18 = arith.muli %arg1, %mul3A_17 : i32
      %mul3A_19 = arith.constant 640 : i32
      %mul3A_20 = arith.muli %arg1, %mul3A_19 : i32
      "tpu.region"() ({
        %run_scoped3A = tpu.sem_alloc : memref<!tpu.dma_semaphore, #tpu.memory_space<semaphore_mem>>
        %dma_start3A = arith.constant 0 : i32
        %dma_start3A_21 = tpu.memref_slice %arg7[%mul3A_20, %dma_start3A] : memref<10240x128xf32, #tpu.memory_space<hbm>> -> memref<640x128xf32, #tpu.memory_space<hbm>>
        %dma_start3A_22 = arith.constant 0 : i32
        %dma_start3A_23 = tpu.memref_slice %arg8[%mul3A_18, %dma_start3A_22] : memref<10240x128xf32, #tpu.memory_space<vmem_shared>> -> memref<640x128xf32, #tpu.memory_space<vmem_shared>>
        tpu.enqueue_dma source(%dma_start3A_23 : memref<640x128xf32, #tpu.memory_space<vmem_shared>>) target(%dma_start3A_21 : memref<640x128xf32, #tpu.memory_space<hbm>>) target_semaphore(%run_scoped3A : memref<!tpu.dma_semaphore, #tpu.memory_space<semaphore_mem>>)
        %dma_wait3A = arith.constant 0 : i32
        %dma_wait3A_24 = tpu.memref_slice %arg7[%mul3A_20, %dma_wait3A] : memref<10240x128xf32, #tpu.memory_space<hbm>> -> memref<640x128xf32, #tpu.memory_space<hbm>>
        %dma_wait3A_25 = arith.constant 0 : i32
        %dma_wait3A_26 = tpu.memref_slice %arg8[%mul3A_18, %dma_wait3A_25] : memref<10240x128xf32, #tpu.memory_space<vmem_shared>> -> memref<640x128xf32, #tpu.memory_space<vmem_shared>>
        tpu.wait_dma2 semaphore(%run_scoped3A : memref<!tpu.dma_semaphore, #tpu.memory_space<semaphore_mem>>) src(%dma_wait3A_26 : memref<640x128xf32, #tpu.memory_space<vmem_shared>>) dst(%dma_wait3A_24 : memref<640x128xf32, #tpu.memory_space<hbm>>)
        tpu.yield
      }) : () -> ()
    } else {
    }
    return
  }
}

#map = affine_map<(d0, d1) -> (0, 0)>
#map1 = affine_map<(d0, d1) -> (0)>
module attributes {stable_mosaic.version = 14 : i64} {
  func.func @agg_kernel(%arg0: i32, %arg1: i32, %arg2: memref<10240x128xf32, #tpu.memory_space<hbm>>, %arg3: memref<10240x128xf32, #tpu.memory_space<hbm>>, %arg4: memref<160000xi32, #tpu.memory_space<hbm>>, %arg5: memref<160000xi32, #tpu.memory_space<hbm>>, %arg6: memref<10240x128xf32, #tpu.memory_space<hbm>>, %arg7: memref<10240x128xf32, #tpu.memory_space<hbm>>, %arg8: memref<10240x128xf32, #tpu.memory_space<vmem_shared>>, %arg9: memref<80xi32, #tpu.memory_space<vmem>>, %arg10: memref<80xi32, #tpu.memory_space<vmem>>, %arg11: memref<80x128xf32, #tpu.memory_space<vmem>>, %arg12: memref<!tpu.dma_semaphore, #tpu.memory_space<semaphore_mem>>) attributes {dimension_semantics = [#tpu.dimension_semantics<core_parallel>, #tpu.dimension_semantics<subcore_parallel>], iteration_bounds = array<i64: 2, 16>, scalar_prefetch = 0 : i64, scratch_operands = 5 : i64, tpu.core_type = #tpu.core_type<sc_vector_subcore>, window_params = [{transform_indices = #map}, {transform_indices = #map}, {transform_indices = #map1}, {transform_indices = #map1}, {transform_indices = #map}, {transform_indices = #map}]} {
    %eq3A = arith.constant 0 : i32
    %eq3A_0 = arith.cmpi eq, %arg0, %eq3A : i32
    %convert_element_type3A = arith.extui %eq3A_0 : i1 to i32
    %cond3A = arith.constant 0 : i32
    %cond3A_1 = arith.cmpi ne, %convert_element_type3A, %cond3A : i32
    scf.if %cond3A_1 {
      %mul3A = arith.constant 640 : i32
      %mul3A_7 = arith.muli %arg1, %mul3A : i32
      %mul3A_8 = arith.constant 640 : i32
      %mul3A_9 = arith.muli %arg1, %mul3A_8 : i32
      "tpu.region"() ({
        %run_scoped3A = tpu.sem_alloc : memref<!tpu.dma_semaphore, #tpu.memory_space<semaphore_mem>>
        %dma_start3A = arith.constant 0 : i32
        %dma_start3A_21 = tpu.memref_slice %arg8[%mul3A_9, %dma_start3A] : memref<10240x128xf32, #tpu.memory_space<vmem_shared>> -> memref<640x128xf32, #tpu.memory_space<vmem_shared>>
        %dma_start3A_22 = arith.constant 0 : i32
        %dma_start3A_23 = tpu.memref_slice %arg2[%mul3A_7, %dma_start3A_22] : memref<10240x128xf32, #tpu.memory_space<hbm>> -> memref<640x128xf32, #tpu.memory_space<hbm>>
        tpu.enqueue_dma source(%dma_start3A_23 : memref<640x128xf32, #tpu.memory_space<hbm>>) target(%dma_start3A_21 : memref<640x128xf32, #tpu.memory_space<vmem_shared>>) target_semaphore(%run_scoped3A : memref<!tpu.dma_semaphore, #tpu.memory_space<semaphore_mem>>)
        %dma_wait3A = arith.constant 0 : i32
        %dma_wait3A_24 = tpu.memref_slice %arg8[%mul3A_9, %dma_wait3A] : memref<10240x128xf32, #tpu.memory_space<vmem_shared>> -> memref<640x128xf32, #tpu.memory_space<vmem_shared>>
        %dma_wait3A_25 = arith.constant 0 : i32
        %dma_wait3A_26 = tpu.memref_slice %arg2[%mul3A_7, %dma_wait3A_25] : memref<10240x128xf32, #tpu.memory_space<hbm>> -> memref<640x128xf32, #tpu.memory_space<hbm>>
        tpu.wait_dma2 semaphore(%run_scoped3A : memref<!tpu.dma_semaphore, #tpu.memory_space<semaphore_mem>>) src(%dma_wait3A_26 : memref<640x128xf32, #tpu.memory_space<hbm>>) dst(%dma_wait3A_24 : memref<640x128xf32, #tpu.memory_space<vmem_shared>>)
        tpu.yield
      }) : () -> ()
      %barrier3A = arith.constant 0 : index
      tpu.barrier barrier_id(%barrier3A)
      %scan3A = arith.constant 0 : i32
      %scan3A_10 = arith.constant 0 : i32
      %scan3A_11 = arith.constant 125 : i32
      %scan3A_12 = arith.addi %scan3A_10, %scan3A_11 : i32
      %scan3A_13 = arith.constant 1 : i32
      %scan3A_14 = scf.for %scan3A_21 = %scan3A_10 to %scan3A_12 step %scan3A_13 iter_args(%scan3A_22 = %scan3A) -> (i32)  : i32 {
        %mul3A_23 = arith.constant 10000 : i32
        %mul3A_24 = arith.muli %arg1, %mul3A_23 : i32
        %mul3A_25 = arith.constant 80 : i32
        %mul3A_26 = arith.muli %scan3A_21, %mul3A_25 : i32
        %add3A = arith.addi %mul3A_24, %mul3A_26 : i32
        %multiple_of3A = tpu.assume_multiple %add3A, 8 : i32
        "tpu.region"() ({
          %run_scoped3A = tpu.sem_alloc : memref<!tpu.dma_semaphore, #tpu.memory_space<semaphore_mem>>
          %dma_start3A_33 = tpu.memref_slice %arg4[%multiple_of3A] : memref<160000xi32, #tpu.memory_space<hbm>> -> memref<80xi32, #tpu.memory_space<hbm>>
          %dma_start3A_34 = tpu.memref_slice %arg4[%multiple_of3A] : memref<160000xi32, #tpu.memory_space<hbm>> -> memref<80xi32, #tpu.memory_space<hbm>>
          tpu.enqueue_dma source(%dma_start3A_34 : memref<80xi32, #tpu.memory_space<hbm>>) target(%arg9 : memref<80xi32, #tpu.memory_space<vmem>>) target_semaphore(%run_scoped3A : memref<!tpu.dma_semaphore, #tpu.memory_space<semaphore_mem>>)
          %dma_wait3A_35 = tpu.memref_slice %arg4[%multiple_of3A] : memref<160000xi32, #tpu.memory_space<hbm>> -> memref<80xi32, #tpu.memory_space<hbm>>
          %dma_wait3A_36 = tpu.memref_slice %arg4[%multiple_of3A] : memref<160000xi32, #tpu.memory_space<hbm>> -> memref<80xi32, #tpu.memory_space<hbm>>
          tpu.wait_dma2 semaphore(%run_scoped3A : memref<!tpu.dma_semaphore, #tpu.memory_space<semaphore_mem>>) src(%dma_wait3A_36 : memref<80xi32, #tpu.memory_space<hbm>>) dst(%arg9 : memref<80xi32, #tpu.memory_space<vmem>>)
          tpu.yield
        }) : () -> ()
        %multiple_of3A_27 = tpu.assume_multiple %add3A, 8 : i32
        "tpu.region"() ({
          %run_scoped3A = tpu.sem_alloc : memref<!tpu.dma_semaphore, #tpu.memory_space<semaphore_mem>>
          %dma_start3A_33 = tpu.memref_slice %arg5[%multiple_of3A_27] : memref<160000xi32, #tpu.memory_space<hbm>> -> memref<80xi32, #tpu.memory_space<hbm>>
          %dma_start3A_34 = tpu.memref_slice %arg5[%multiple_of3A_27] : memref<160000xi32, #tpu.memory_space<hbm>> -> memref<80xi32, #tpu.memory_space<hbm>>
          tpu.enqueue_dma source(%dma_start3A_34 : memref<80xi32, #tpu.memory_space<hbm>>) target(%arg10 : memref<80xi32, #tpu.memory_space<vmem>>) target_semaphore(%run_scoped3A : memref<!tpu.dma_semaphore, #tpu.memory_space<semaphore_mem>>)
          %dma_wait3A_35 = tpu.memref_slice %arg5[%multiple_of3A_27] : memref<160000xi32, #tpu.memory_space<hbm>> -> memref<80xi32, #tpu.memory_space<hbm>>
          %dma_wait3A_36 = tpu.memref_slice %arg5[%multiple_of3A_27] : memref<160000xi32, #tpu.memory_space<hbm>> -> memref<80xi32, #tpu.memory_space<hbm>>
          tpu.wait_dma2 semaphore(%run_scoped3A : memref<!tpu.dma_semaphore, #tpu.memory_space<semaphore_mem>>) src(%dma_wait3A_36 : memref<80xi32, #tpu.memory_space<hbm>>) dst(%arg10 : memref<80xi32, #tpu.memory_space<vmem>>)
          tpu.yield
        }) : () -> ()
        %dma_start3A = arith.constant 0 : i32
        %dma_start3A_28 = arith.constant 0 : i32
        %dma_start3A_29 = tpu.memref_slice %arg2[%dma_start3A, %dma_start3A_28] : memref<10240x128xf32, #tpu.memory_space<hbm>> -> memref<10240x128xf32, #tpu.memory_space<hbm>>
        tpu.enqueue_indirect_dma source(%dma_start3A_29 : memref<10240x128xf32, #tpu.memory_space<hbm>>) target(%arg11 : memref<80x128xf32, #tpu.memory_space<vmem>>) offsets(%arg9 : memref<80xi32, #tpu.memory_space<vmem>>) semaphore(%arg12 : memref<!tpu.dma_semaphore, #tpu.memory_space<semaphore_mem>>)
        %dma_wait3A = arith.constant 0 : i32
        %dma_wait3A_30 = arith.constant 0 : i32
        %dma_wait3A_31 = tpu.memref_slice %arg2[%dma_wait3A, %dma_wait3A_30] : memref<10240x128xf32, #tpu.memory_space<hbm>> -> memref<10240x128xf32, #tpu.memory_space<hbm>>
        tpu.wait_indirect_dma semaphore(%arg12 : memref<!tpu.dma_semaphore, #tpu.memory_space<semaphore_mem>>) src(%dma_wait3A_31 : memref<10240x128xf32, #tpu.memory_space<hbm>>) dst(%arg11 : memref<80x128xf32, #tpu.memory_space<vmem>>)
        "tpu.region"() ({
          %run_scoped3A = tpu.sem_alloc : memref<!tpu.dma_semaphore, #tpu.memory_space<semaphore_mem>>
          %dma_start3A_33 = arith.constant 0 : i32
          %dma_start3A_34 = arith.constant 0 : i32
          %dma_start3A_35 = tpu.memref_slice %arg8[%dma_start3A_33, %dma_start3A_34] : memref<10240x128xf32, #tpu.memory_space<vmem_shared>> -> memref<10240x128xf32, #tpu.memory_space<vmem_shared>>
          tpu.enqueue_indirect_dma source(%arg11 : memref<80x128xf32, #tpu.memory_space<vmem>>) target(%dma_start3A_35 : memref<10240x128xf32, #tpu.memory_space<vmem_shared>>) offsets(%arg10 : memref<80xi32, #tpu.memory_space<vmem>>) semaphore(%run_scoped3A : memref<!tpu.dma_semaphore, #tpu.memory_space<semaphore_mem>>) {add = true}
          %dma_wait3A_36 = arith.constant 0 : i32
          %dma_wait3A_37 = arith.constant 0 : i32
          %dma_wait3A_38 = tpu.memref_slice %arg8[%dma_wait3A_36, %dma_wait3A_37] : memref<10240x128xf32, #tpu.memory_space<vmem_shared>> -> memref<10240x128xf32, #tpu.memory_space<vmem_shared>>
          tpu.wait_indirect_dma semaphore(%run_scoped3A : memref<!tpu.dma_semaphore, #tpu.memory_space<semaphore_mem>>) src(%arg11 : memref<80x128xf32, #tpu.memory_space<vmem>>) dst(%dma_wait3A_38 : memref<10240x128xf32, #tpu.memory_space<vmem_shared>>)
          tpu.yield
        }) : () -> ()
        %scan3A_32 = arith.constant 0 : i32
        scf.yield %scan3A_32 : i32
      }
      %scan3A_15 = arith.constant 125 : i32
      %barrier3A_16 = arith.constant 0 : index
      tpu.barrier barrier_id(%barrier3A_16)
      %mul3A_17 = arith.constant 640 : i32
      %mul3A_18 = arith.muli %arg1, %mul3A_17 : i32
      %mul3A_19 = arith.constant 640 : i32
      %mul3A_20 = arith.muli %arg1, %mul3A_19 : i32
      "tpu.region"() ({
        %run_scoped3A = tpu.sem_alloc : memref<!tpu.dma_semaphore, #tpu.memory_space<semaphore_mem>>
        %dma_start3A = arith.constant 0 : i32
        %dma_start3A_21 = tpu.memref_slice %arg6[%mul3A_20, %dma_start3A] : memref<10240x128xf32, #tpu.memory_space<hbm>> -> memref<640x128xf32, #tpu.memory_space<hbm>>
        %dma_start3A_22 = arith.constant 0 : i32
        %dma_start3A_23 = tpu.memref_slice %arg8[%mul3A_18, %dma_start3A_22] : memref<10240x128xf32, #tpu.memory_space<vmem_shared>> -> memref<640x128xf32, #tpu.memory_space<vmem_shared>>
        tpu.enqueue_dma source(%dma_start3A_23 : memref<640x128xf32, #tpu.memory_space<vmem_shared>>) target(%dma_start3A_21 : memref<640x128xf32, #tpu.memory_space<hbm>>) target_semaphore(%run_scoped3A : memref<!tpu.dma_semaphore, #tpu.memory_space<semaphore_mem>>)
        %dma_wait3A = arith.constant 0 : i32
        %dma_wait3A_24 = tpu.memref_slice %arg6[%mul3A_20, %dma_wait3A] : memref<10240x128xf32, #tpu.memory_space<hbm>> -> memref<640x128xf32, #tpu.memory_space<hbm>>
        %dma_wait3A_25 = arith.constant 0 : i32
        %dma_wait3A_26 = tpu.memref_slice %arg8[%mul3A_18, %dma_wait3A_25] : memref<10240x128xf32, #tpu.memory_space<vmem_shared>> -> memref<640x128xf32, #tpu.memory_space<vmem_shared>>
        tpu.wait_dma2 semaphore(%run_scoped3A : memref<!tpu.dma_semaphore, #tpu.memory_space<semaphore_mem>>) src(%dma_wait3A_26 : memref<640x128xf32, #tpu.memory_space<vmem_shared>>) dst(%dma_wait3A_24 : memref<640x128xf32, #tpu.memory_space<hbm>>)
        tpu.yield
      }) : () -> ()
    } else {
    }
    %eq3A_2 = arith.constant 1 : i32
    %eq3A_3 = arith.cmpi eq, %arg0, %eq3A_2 : i32
    %convert_element_type3A_4 = arith.extui %eq3A_3 : i1 to i32
    %cond3A_5 = arith.constant 0 : i32
    %cond3A_6 = arith.cmpi ne, %convert_element_type3A_4, %cond3A_5 : i32
    scf.if %cond3A_6 {
      %mul3A = arith.constant 640 : i32
      %mul3A_7 = arith.muli %arg1, %mul3A : i32
      %mul3A_8 = arith.constant 640 : i32
      %mul3A_9 = arith.muli %arg1, %mul3A_8 : i32
      "tpu.region"() ({
        %run_scoped3A = tpu.sem_alloc : memref<!tpu.dma_semaphore, #tpu.memory_space<semaphore_mem>>
        %dma_start3A = arith.constant 0 : i32
        %dma_start3A_21 = tpu.memref_slice %arg8[%mul3A_9, %dma_start3A] : memref<10240x128xf32, #tpu.memory_space<vmem_shared>> -> memref<640x128xf32, #tpu.memory_space<vmem_shared>>
        %dma_start3A_22 = arith.constant 0 : i32
        %dma_start3A_23 = tpu.memref_slice %arg3[%mul3A_7, %dma_start3A_22] : memref<10240x128xf32, #tpu.memory_space<hbm>> -> memref<640x128xf32, #tpu.memory_space<hbm>>
        tpu.enqueue_dma source(%dma_start3A_23 : memref<640x128xf32, #tpu.memory_space<hbm>>) target(%dma_start3A_21 : memref<640x128xf32, #tpu.memory_space<vmem_shared>>) target_semaphore(%run_scoped3A : memref<!tpu.dma_semaphore, #tpu.memory_space<semaphore_mem>>)
        %dma_wait3A = arith.constant 0 : i32
        %dma_wait3A_24 = tpu.memref_slice %arg8[%mul3A_9, %dma_wait3A] : memref<10240x128xf32, #tpu.memory_space<vmem_shared>> -> memref<640x128xf32, #tpu.memory_space<vmem_shared>>
        %dma_wait3A_25 = arith.constant 0 : i32
        %dma_wait3A_26 = tpu.memref_slice %arg3[%mul3A_7, %dma_wait3A_25] : memref<10240x128xf32, #tpu.memory_space<hbm>> -> memref<640x128xf32, #tpu.memory_space<hbm>>
        tpu.wait_dma2 semaphore(%run_scoped3A : memref<!tpu.dma_semaphore, #tpu.memory_space<semaphore_mem>>) src(%dma_wait3A_26 : memref<640x128xf32, #tpu.memory_space<hbm>>) dst(%dma_wait3A_24 : memref<640x128xf32, #tpu.memory_space<vmem_shared>>)
        tpu.yield
      }) : () -> ()
      %barrier3A = arith.constant 0 : index
      tpu.barrier barrier_id(%barrier3A)
      %scan3A = arith.constant 0 : i32
      %scan3A_10 = arith.constant 0 : i32
      %scan3A_11 = arith.constant 125 : i32
      %scan3A_12 = arith.addi %scan3A_10, %scan3A_11 : i32
      %scan3A_13 = arith.constant 1 : i32
      %scan3A_14 = scf.for %scan3A_21 = %scan3A_10 to %scan3A_12 step %scan3A_13 iter_args(%scan3A_22 = %scan3A) -> (i32)  : i32 {
        %mul3A_23 = arith.constant 10000 : i32
        %mul3A_24 = arith.muli %arg1, %mul3A_23 : i32
        %mul3A_25 = arith.constant 80 : i32
        %mul3A_26 = arith.muli %scan3A_21, %mul3A_25 : i32
        %add3A = arith.addi %mul3A_24, %mul3A_26 : i32
        %multiple_of3A = tpu.assume_multiple %add3A, 8 : i32
        "tpu.region"() ({
          %run_scoped3A = tpu.sem_alloc : memref<!tpu.dma_semaphore, #tpu.memory_space<semaphore_mem>>
          %dma_start3A_33 = tpu.memref_slice %arg4[%multiple_of3A] : memref<160000xi32, #tpu.memory_space<hbm>> -> memref<80xi32, #tpu.memory_space<hbm>>
          %dma_start3A_34 = tpu.memref_slice %arg4[%multiple_of3A] : memref<160000xi32, #tpu.memory_space<hbm>> -> memref<80xi32, #tpu.memory_space<hbm>>
          tpu.enqueue_dma source(%dma_start3A_34 : memref<80xi32, #tpu.memory_space<hbm>>) target(%arg9 : memref<80xi32, #tpu.memory_space<vmem>>) target_semaphore(%run_scoped3A : memref<!tpu.dma_semaphore, #tpu.memory_space<semaphore_mem>>)
          %dma_wait3A_35 = tpu.memref_slice %arg4[%multiple_of3A] : memref<160000xi32, #tpu.memory_space<hbm>> -> memref<80xi32, #tpu.memory_space<hbm>>
          %dma_wait3A_36 = tpu.memref_slice %arg4[%multiple_of3A] : memref<160000xi32, #tpu.memory_space<hbm>> -> memref<80xi32, #tpu.memory_space<hbm>>
          tpu.wait_dma2 semaphore(%run_scoped3A : memref<!tpu.dma_semaphore, #tpu.memory_space<semaphore_mem>>) src(%dma_wait3A_36 : memref<80xi32, #tpu.memory_space<hbm>>) dst(%arg9 : memref<80xi32, #tpu.memory_space<vmem>>)
          tpu.yield
        }) : () -> ()
        %multiple_of3A_27 = tpu.assume_multiple %add3A, 8 : i32
        "tpu.region"() ({
          %run_scoped3A = tpu.sem_alloc : memref<!tpu.dma_semaphore, #tpu.memory_space<semaphore_mem>>
          %dma_start3A_33 = tpu.memref_slice %arg5[%multiple_of3A_27] : memref<160000xi32, #tpu.memory_space<hbm>> -> memref<80xi32, #tpu.memory_space<hbm>>
          %dma_start3A_34 = tpu.memref_slice %arg5[%multiple_of3A_27] : memref<160000xi32, #tpu.memory_space<hbm>> -> memref<80xi32, #tpu.memory_space<hbm>>
          tpu.enqueue_dma source(%dma_start3A_34 : memref<80xi32, #tpu.memory_space<hbm>>) target(%arg10 : memref<80xi32, #tpu.memory_space<vmem>>) target_semaphore(%run_scoped3A : memref<!tpu.dma_semaphore, #tpu.memory_space<semaphore_mem>>)
          %dma_wait3A_35 = tpu.memref_slice %arg5[%multiple_of3A_27] : memref<160000xi32, #tpu.memory_space<hbm>> -> memref<80xi32, #tpu.memory_space<hbm>>
          %dma_wait3A_36 = tpu.memref_slice %arg5[%multiple_of3A_27] : memref<160000xi32, #tpu.memory_space<hbm>> -> memref<80xi32, #tpu.memory_space<hbm>>
          tpu.wait_dma2 semaphore(%run_scoped3A : memref<!tpu.dma_semaphore, #tpu.memory_space<semaphore_mem>>) src(%dma_wait3A_36 : memref<80xi32, #tpu.memory_space<hbm>>) dst(%arg10 : memref<80xi32, #tpu.memory_space<vmem>>)
          tpu.yield
        }) : () -> ()
        %dma_start3A = arith.constant 0 : i32
        %dma_start3A_28 = arith.constant 0 : i32
        %dma_start3A_29 = tpu.memref_slice %arg3[%dma_start3A, %dma_start3A_28] : memref<10240x128xf32, #tpu.memory_space<hbm>> -> memref<10240x128xf32, #tpu.memory_space<hbm>>
        tpu.enqueue_indirect_dma source(%dma_start3A_29 : memref<10240x128xf32, #tpu.memory_space<hbm>>) target(%arg11 : memref<80x128xf32, #tpu.memory_space<vmem>>) offsets(%arg9 : memref<80xi32, #tpu.memory_space<vmem>>) semaphore(%arg12 : memref<!tpu.dma_semaphore, #tpu.memory_space<semaphore_mem>>)
        %dma_wait3A = arith.constant 0 : i32
        %dma_wait3A_30 = arith.constant 0 : i32
        %dma_wait3A_31 = tpu.memref_slice %arg3[%dma_wait3A, %dma_wait3A_30] : memref<10240x128xf32, #tpu.memory_space<hbm>> -> memref<10240x128xf32, #tpu.memory_space<hbm>>
        tpu.wait_indirect_dma semaphore(%arg12 : memref<!tpu.dma_semaphore, #tpu.memory_space<semaphore_mem>>) src(%dma_wait3A_31 : memref<10240x128xf32, #tpu.memory_space<hbm>>) dst(%arg11 : memref<80x128xf32, #tpu.memory_space<vmem>>)
        "tpu.region"() ({
          %run_scoped3A = tpu.sem_alloc : memref<!tpu.dma_semaphore, #tpu.memory_space<semaphore_mem>>
          %dma_start3A_33 = arith.constant 0 : i32
          %dma_start3A_34 = arith.constant 0 : i32
          %dma_start3A_35 = tpu.memref_slice %arg8[%dma_start3A_33, %dma_start3A_34] : memref<10240x128xf32, #tpu.memory_space<vmem_shared>> -> memref<10240x128xf32, #tpu.memory_space<vmem_shared>>
          tpu.enqueue_indirect_dma source(%arg11 : memref<80x128xf32, #tpu.memory_space<vmem>>) target(%dma_start3A_35 : memref<10240x128xf32, #tpu.memory_space<vmem_shared>>) offsets(%arg10 : memref<80xi32, #tpu.memory_space<vmem>>) semaphore(%run_scoped3A : memref<!tpu.dma_semaphore, #tpu.memory_space<semaphore_mem>>) {add = true}
          %dma_wait3A_36 = arith.constant 0 : i32
          %dma_wait3A_37 = arith.constant 0 : i32
          %dma_wait3A_38 = tpu.memref_slice %arg8[%dma_wait3A_36, %dma_wait3A_37] : memref<10240x128xf32, #tpu.memory_space<vmem_shared>> -> memref<10240x128xf32, #tpu.memory_space<vmem_shared>>
          tpu.wait_indirect_dma semaphore(%run_scoped3A : memref<!tpu.dma_semaphore, #tpu.memory_space<semaphore_mem>>) src(%arg11 : memref<80x128xf32, #tpu.memory_space<vmem>>) dst(%dma_wait3A_38 : memref<10240x128xf32, #tpu.memory_space<vmem_shared>>)
          tpu.yield
        }) : () -> ()
        %scan3A_32 = arith.constant 0 : i32
        scf.yield %scan3A_32 : i32
      }
      %scan3A_15 = arith.constant 125 : i32
      %barrier3A_16 = arith.constant 0 : index
      tpu.barrier barrier_id(%barrier3A_16)
      %mul3A_17 = arith.constant 640 : i32
      %mul3A_18 = arith.muli %arg1, %mul3A_17 : i32
      %mul3A_19 = arith.constant 640 : i32
      %mul3A_20 = arith.muli %arg1, %mul3A_19 : i32
      "tpu.region"() ({
        %run_scoped3A = tpu.sem_alloc : memref<!tpu.dma_semaphore, #tpu.memory_space<semaphore_mem>>
        %dma_start3A = arith.constant 0 : i32
        %dma_start3A_21 = tpu.memref_slice %arg7[%mul3A_20, %dma_start3A] : memref<10240x128xf32, #tpu.memory_space<hbm>> -> memref<640x128xf32, #tpu.memory_space<hbm>>
        %dma_start3A_22 = arith.constant 0 : i32
        %dma_start3A_23 = tpu.memref_slice %arg8[%mul3A_18, %dma_start3A_22] : memref<10240x128xf32, #tpu.memory_space<vmem_shared>> -> memref<640x128xf32, #tpu.memory_space<vmem_shared>>
        tpu.enqueue_dma source(%dma_start3A_23 : memref<640x128xf32, #tpu.memory_space<vmem_shared>>) target(%dma_start3A_21 : memref<640x128xf32, #tpu.memory_space<hbm>>) target_semaphore(%run_scoped3A : memref<!tpu.dma_semaphore, #tpu.memory_space<semaphore_mem>>)
        %dma_wait3A = arith.constant 0 : i32
        %dma_wait3A_24 = tpu.memref_slice %arg7[%mul3A_20, %dma_wait3A] : memref<10240x128xf32, #tpu.memory_space<hbm>> -> memref<640x128xf32, #tpu.memory_space<hbm>>
        %dma_wait3A_25 = arith.constant 0 : i32
        %dma_wait3A_26 = tpu.memref_slice %arg8[%mul3A_18, %dma_wait3A_25] : memref<10240x128xf32, #tpu.memory_space<vmem_shared>> -> memref<640x128xf32, #tpu.memory_space<vmem_shared>>
        tpu.wait_dma2 semaphore(%run_scoped3A : memref<!tpu.dma_semaphore, #tpu.memory_space<semaphore_mem>>) src(%dma_wait3A_26 : memref<640x128xf32, #tpu.memory_space<vmem_shared>>) dst(%dma_wait3A_24 : memref<640x128xf32, #tpu.memory_space<hbm>>)
        tpu.yield
      }) : () -> ()
    } else {
    }
    return
  }
}

module attributes {stable_mosaic.version = 14 : i64} {
  func.func @body(%arg0: i32, %arg1: memref<2048x256xf32, #tpu.memory_space<vmem>>, %arg2: memref<2048x128xf32, #tpu.memory_space<vmem>>, %arg3: memref<2048x128xf32, #tpu.memory_space<vmem>>, %arg4: memref<2048x128xf32, #tpu.memory_space<vmem>>) attributes {dimension_semantics = [#tpu.dimension_semantics<arbitrary>], iteration_bounds = array<i64: 5>, scalar_prefetch = 0 : i64, scratch_operands = 0 : i64, tpu.core_type = #tpu.core_type<tc>, window_params = [{transform_indices = @transform_0, window_bounds = array<i64: 2048, 256>}, {transform_indices = @transform_1, window_bounds = array<i64: 2048, 128>}, {transform_indices = @transform_2, window_bounds = array<i64: 2048, 128>}, {transform_indices = @transform_3, window_bounds = array<i64: 2048, 128>}]} {
    %get3A = arith.constant 0 : index
    %get3A_0 = arith.constant 0 : index
    %get3A_1 = vector.load %arg2[%get3A, %get3A_0] : memref<2048x128xf32, #tpu.memory_space<vmem>>, vector<2048x1xf32>
    %add3A = arith.constant 1.000000e+00 : f32
    %add3A_2 = vector.broadcast %add3A : f32 to vector<2048x1xf32>
    %add3A_3 = arith.addf %get3A_1, %add3A_2 : vector<2048x1xf32>
    %rsqrt3A = math.rsqrt %add3A_3 : vector<2048x1xf32>
    %get3A_4 = arith.constant 0 : index
    %get3A_5 = arith.constant 0 : index
    %get3A_6 = vector.load %arg1[%get3A_4, %get3A_5] : memref<2048x256xf32, #tpu.memory_space<vmem>>, vector<2048x256xf32>
    %mul3A = vector.broadcast %rsqrt3A : vector<2048x1xf32> to vector<2048x256xf32>
    %mul3A_7 = arith.mulf %get3A_6, %mul3A : vector<2048x256xf32>
    %slice3A = vector.extract_strided_slice %mul3A_7 {offsets = [0, 0], sizes = [2048, 128], strides = [1, 1]} : vector<2048x256xf32> to vector<2048x128xf32>
    %swap3A = arith.constant 0 : index
    %swap3A_8 = arith.constant 0 : index
    %swap3A_9 = vector.load %arg3[%swap3A, %swap3A_8] : memref<2048x128xf32, #tpu.memory_space<vmem>>, vector<2048x128xf32>
    tpu.vector_store %arg3[%swap3A, %swap3A_8], %slice3A {strides = array<i32>} : memref<2048x128xf32, #tpu.memory_space<vmem>>, vector<2048x128xf32>,
    %slice3A_10 = vector.extract_strided_slice %mul3A_7 {offsets = [0, 128], sizes = [2048, 128], strides = [1, 1]} : vector<2048x256xf32> to vector<2048x128xf32>
    %swap3A_11 = arith.constant 0 : index
    %swap3A_12 = arith.constant 0 : index
    %swap3A_13 = vector.load %arg4[%swap3A_11, %swap3A_12] : memref<2048x128xf32, #tpu.memory_space<vmem>>, vector<2048x128xf32>
    tpu.vector_store %arg4[%swap3A_11, %swap3A_12], %slice3A_10 {strides = array<i32>} : memref<2048x128xf32, #tpu.memory_space<vmem>>, vector<2048x128xf32>,
    return
  }
  func.func @transform_0(%arg0: i32) -> (i32, i32) {
    %c0_i32 = arith.constant 0 : i32
    %c0_i32_0 = arith.constant 0 : i32
    return %arg0, %c0_i32 : i32, i32
  }
  func.func @transform_1(%arg0: i32) -> (i32, i32) {
    %c0_i32 = arith.constant 0 : i32
    %c0_i32_0 = arith.constant 0 : i32
    return %arg0, %c0_i32 : i32, i32
  }
  func.func @transform_2(%arg0: i32) -> (i32, i32) {
    %c0_i32 = arith.constant 0 : i32
    %c0_i32_0 = arith.constant 0 : i32
    return %arg0, %c0_i32 : i32, i32
  }
  func.func @transform_3(%arg0: i32) -> (i32, i32) {
    %c0_i32 = arith.constant 0 : i32
    %c0_i32_0 = arith.constant 0 : i32
    return %arg0, %c0_i32 : i32, i32
  }
}

module attributes {stable_mosaic.version = 14 : i64} {
  func.func @body(%arg0: i32, %arg1: memref<1024x128xf32, #tpu.memory_space<vmem>>, %arg2: memref<1024x128xf32, #tpu.memory_space<vmem>>, %arg3: memref<1024x128xf32, #tpu.memory_space<vmem>>, %arg4: memref<1024x128xf32, #tpu.memory_space<vmem>>, %arg5: memref<256x512xf32, #tpu.memory_space<vmem>>, %arg6: memref<1x512xf32, #tpu.memory_space<vmem>>, %arg7: memref<512x256xf32, #tpu.memory_space<vmem>>, %arg8: memref<1024x128xf32, #tpu.memory_space<vmem>>, %arg9: memref<1024x128xf32, #tpu.memory_space<vmem>>) attributes {dimension_semantics = [#tpu.dimension_semantics<arbitrary>], iteration_bounds = array<i64: 10>, scalar_prefetch = 0 : i64, scratch_operands = 0 : i64, tpu.core_type = #tpu.core_type<tc>, window_params = [{transform_indices = @transform_0, window_bounds = array<i64: 1024, 128>}, {transform_indices = @transform_1, window_bounds = array<i64: 1024, 128>}, {transform_indices = @transform_2, window_bounds = array<i64: 1024, 128>}, {transform_indices = @transform_3, window_bounds = array<i64: 1024, 128>}, {pipeline_mode = #tpu.pipeline_mode<synchronous>, transform_indices = @transform_4, window_bounds = array<i64: 256, 512>}, {pipeline_mode = #tpu.pipeline_mode<synchronous>, transform_indices = @transform_5, window_bounds = array<i64: 1, 512>}, {pipeline_mode = #tpu.pipeline_mode<synchronous>, transform_indices = @transform_6, window_bounds = array<i64: 512, 256>}, {transform_indices = @transform_7, window_bounds = array<i64: 1024, 128>}, {transform_indices = @transform_8, window_bounds = array<i64: 1024, 128>}]} {
    %get3A = arith.constant 0 : index
    %get3A_0 = arith.constant 0 : index
    %get3A_1 = vector.load %arg4[%get3A, %get3A_0] : memref<1024x128xf32, #tpu.memory_space<vmem>>, vector<1024x1xf32>
    %add3A = arith.constant 1.000000e+00 : f32
    %add3A_2 = vector.broadcast %add3A : f32 to vector<1024x1xf32>
    %add3A_3 = arith.addf %get3A_1, %add3A_2 : vector<1024x1xf32>
    %rsqrt3A = math.rsqrt %add3A_3 : vector<1024x1xf32>
    %get3A_4 = arith.constant 0 : index
    %get3A_5 = arith.constant 0 : index
    %get3A_6 = vector.load %arg3[%get3A_4, %get3A_5] : memref<1024x128xf32, #tpu.memory_space<vmem>>, vector<1024x1xf32>
    %add3A_7 = arith.constant 1.000000e+00 : f32
    %add3A_8 = vector.broadcast %add3A_7 : f32 to vector<1024x1xf32>
    %add3A_9 = arith.addf %get3A_6, %add3A_8 : vector<1024x1xf32>
    %rsqrt3A_10 = math.rsqrt %add3A_9 : vector<1024x1xf32>
    %get3A_11 = arith.constant 0 : index
    %get3A_12 = arith.constant 0 : index
    %get3A_13 = vector.load %arg1[%get3A_11, %get3A_12] : memref<1024x128xf32, #tpu.memory_space<vmem>>, vector<1024x128xf32>
    %get3A_14 = arith.constant 0 : index
    %get3A_15 = arith.constant 0 : index
    %get3A_16 = vector.load %arg2[%get3A_14, %get3A_15] : memref<1024x128xf32, #tpu.memory_space<vmem>>, vector<1024x128xf32>
    %concatenate3A = tpu.concatenate %get3A_13, %get3A_16 in 1 : vector<1024x128xf32>, vector<1024x128xf32> -> vector<1024x256xf32>
    %mul3A = vector.broadcast %rsqrt3A : vector<1024x1xf32> to vector<1024x256xf32>
    %mul3A_17 = arith.mulf %concatenate3A, %mul3A : vector<1024x256xf32>
    %get3A_18 = arith.constant 0 : index
    %get3A_19 = arith.constant 0 : index
    %get3A_20 = vector.load %arg5[%get3A_18, %get3A_19] : memref<256x512xf32, #tpu.memory_space<vmem>>, vector<256x512xf32>
    %dot_general3A = arith.constant dense<0.000000e+00> : vector<1024x512xf32>
    %dot_general3A_21 = tpu.matmul %mul3A_17, %get3A_20, %dot_general3A {dimension_numbers = #tpu.dot_dimension_numbers<[1], [0], [0], [1], [0, 0, 1, 1], [], []>, transpose_lhs_hint = false} : vector<1024x256xf32>, vector<256x512xf32>, vector<1024x512xf32> -> vector<1024x512xf32>
    %get3A_22 = arith.constant 0 : index
    %get3A_23 = arith.constant 0 : index
    %get3A_24 = vector.load %arg6[%get3A_22, %get3A_23] : memref<1x512xf32, #tpu.memory_space<vmem>>, vector<1x512xf32>
    %add3A_25 = vector.broadcast %get3A_24 : vector<1x512xf32> to vector<1024x512xf32>
    %add3A_26 = arith.addf %dot_general3A_21, %add3A_25 : vector<1024x512xf32>
    %max3A = arith.constant 0.000000e+00 : f32
    %max3A_27 = vector.broadcast %max3A : f32 to vector<1024x512xf32>
    %max3A_28 = arith.maximumf %add3A_26, %max3A_27 : vector<1024x512xf32>
    %mul3A_29 = vector.broadcast %rsqrt3A_10 : vector<1024x1xf32> to vector<1024x512xf32>
    %mul3A_30 = arith.mulf %max3A_28, %mul3A_29 : vector<1024x512xf32>
    %get3A_31 = arith.constant 0 : index
    %get3A_32 = arith.constant 0 : index
    %get3A_33 = vector.load %arg7[%get3A_31, %get3A_32] : memref<512x256xf32, #tpu.memory_space<vmem>>, vector<512x256xf32>
    %dot_general3A_34 = arith.constant dense<0.000000e+00> : vector<1024x256xf32>
    %dot_general3A_35 = tpu.matmul %mul3A_30, %get3A_33, %dot_general3A_34 {dimension_numbers = #tpu.dot_dimension_numbers<[1], [0], [0], [1], [0, 0, 1, 1], [], []>, transpose_lhs_hint = false} : vector<1024x512xf32>, vector<512x256xf32>, vector<1024x256xf32> -> vector<1024x256xf32>
    %slice3A = vector.extract_strided_slice %dot_general3A_35 {offsets = [0, 0], sizes = [1024, 128], strides = [1, 1]} : vector<1024x256xf32> to vector<1024x128xf32>
    %swap3A = arith.constant 0 : index
    %swap3A_36 = arith.constant 0 : index
    %swap3A_37 = vector.load %arg8[%swap3A, %swap3A_36] : memref<1024x128xf32, #tpu.memory_space<vmem>>, vector<1024x128xf32>
    tpu.vector_store %arg8[%swap3A, %swap3A_36], %slice3A {strides = array<i32>} : memref<1024x128xf32, #tpu.memory_space<vmem>>, vector<1024x128xf32>,
    %slice3A_38 = vector.extract_strided_slice %dot_general3A_35 {offsets = [0, 128], sizes = [1024, 128], strides = [1, 1]} : vector<1024x256xf32> to vector<1024x128xf32>
    %swap3A_39 = arith.constant 0 : index
    %swap3A_40 = arith.constant 0 : index
    %swap3A_41 = vector.load %arg9[%swap3A_39, %swap3A_40] : memref<1024x128xf32, #tpu.memory_space<vmem>>, vector<1024x128xf32>
    tpu.vector_store %arg9[%swap3A_39, %swap3A_40], %slice3A_38 {strides = array<i32>} : memref<1024x128xf32, #tpu.memory_space<vmem>>, vector<1024x128xf32>,
    return
  }
  func.func @transform_0(%arg0: i32) -> (i32, i32) {
    %c0_i32 = arith.constant 0 : i32
    %c0_i32_0 = arith.constant 0 : i32
    return %arg0, %c0_i32 : i32, i32
  }
  func.func @transform_1(%arg0: i32) -> (i32, i32) {
    %c0_i32 = arith.constant 0 : i32
    %c0_i32_0 = arith.constant 0 : i32
    return %arg0, %c0_i32 : i32, i32
  }
  func.func @transform_2(%arg0: i32) -> (i32, i32) {
    %c0_i32 = arith.constant 0 : i32
    %c0_i32_0 = arith.constant 0 : i32
    return %arg0, %c0_i32 : i32, i32
  }
  func.func @transform_3(%arg0: i32) -> (i32, i32) {
    %c0_i32 = arith.constant 0 : i32
    %c0_i32_0 = arith.constant 0 : i32
    return %arg0, %c0_i32 : i32, i32
  }
  func.func @transform_4(%arg0: i32) -> (i32, i32) {
    %c0_i32 = arith.constant 0 : i32
    %c0_i32_0 = arith.constant 0 : i32
    %c0_i32_1 = arith.constant 0 : i32
    return %c0_i32, %c0_i32_0 : i32, i32
  }
  func.func @transform_5(%arg0: i32) -> (i32, i32) {
    %c0_i32 = arith.constant 0 : i32
    %c0_i32_0 = arith.constant 0 : i32
    %c0_i32_1 = arith.constant 0 : i32
    return %c0_i32, %c0_i32_0 : i32, i32
  }
  func.func @transform_6(%arg0: i32) -> (i32, i32) {
    %c0_i32 = arith.constant 0 : i32
    %c0_i32_0 = arith.constant 0 : i32
    %c0_i32_1 = arith.constant 0 : i32
    return %c0_i32, %c0_i32_0 : i32, i32
  }
  func.func @transform_7(%arg0: i32) -> (i32, i32) {
    %c0_i32 = arith.constant 0 : i32
    %c0_i32_0 = arith.constant 0 : i32
    return %arg0, %c0_i32 : i32, i32
  }
  func.func @transform_8(%arg0: i32) -> (i32, i32) {
    %c0_i32 = arith.constant 0 : i32
    %c0_i32_0 = arith.constant 0 : i32
    return %arg0, %c0_i32 : i32, i32
  }
}

module attributes {stable_mosaic.version = 14 : i64} {
  func.func @body(%arg0: i32, %arg1: memref<2048x128xf32, #tpu.memory_space<vmem>>, %arg2: memref<2048x128xf32, #tpu.memory_space<vmem>>, %arg3: memref<2048x128xf32, #tpu.memory_space<vmem>>, %arg4: memref<1x256xf32, #tpu.memory_space<vmem>>, %arg5: memref<2048x256xf32, #tpu.memory_space<vmem>>) attributes {dimension_semantics = [#tpu.dimension_semantics<arbitrary>], iteration_bounds = array<i64: 5>, scalar_prefetch = 0 : i64, scratch_operands = 0 : i64, tpu.core_type = #tpu.core_type<tc>, window_params = [{transform_indices = @transform_0, window_bounds = array<i64: 2048, 128>}, {transform_indices = @transform_1, window_bounds = array<i64: 2048, 128>}, {transform_indices = @transform_2, window_bounds = array<i64: 2048, 128>}, {pipeline_mode = #tpu.pipeline_mode<synchronous>, transform_indices = @transform_3, window_bounds = array<i64: 1, 256>}, {transform_indices = @transform_4, window_bounds = array<i64: 2048, 256>}]} {
    %get3A = arith.constant 0 : index
    %get3A_0 = arith.constant 0 : index
    %get3A_1 = vector.load %arg3[%get3A, %get3A_0] : memref<2048x128xf32, #tpu.memory_space<vmem>>, vector<2048x1xf32>
    %add3A = arith.constant 1.000000e+00 : f32
    %add3A_2 = vector.broadcast %add3A : f32 to vector<2048x1xf32>
    %add3A_3 = arith.addf %get3A_1, %add3A_2 : vector<2048x1xf32>
    %rsqrt3A = math.rsqrt %add3A_3 : vector<2048x1xf32>
    %get3A_4 = arith.constant 0 : index
    %get3A_5 = arith.constant 0 : index
    %get3A_6 = vector.load %arg1[%get3A_4, %get3A_5] : memref<2048x128xf32, #tpu.memory_space<vmem>>, vector<2048x128xf32>
    %get3A_7 = arith.constant 0 : index
    %get3A_8 = arith.constant 0 : index
    %get3A_9 = vector.load %arg2[%get3A_7, %get3A_8] : memref<2048x128xf32, #tpu.memory_space<vmem>>, vector<2048x128xf32>
    %concatenate3A = tpu.concatenate %get3A_6, %get3A_9 in 1 : vector<2048x128xf32>, vector<2048x128xf32> -> vector<2048x256xf32>
    %mul3A = vector.broadcast %rsqrt3A : vector<2048x1xf32> to vector<2048x256xf32>
    %mul3A_10 = arith.mulf %concatenate3A, %mul3A : vector<2048x256xf32>
    %get3A_11 = arith.constant 0 : index
    %get3A_12 = arith.constant 0 : index
    %get3A_13 = vector.load %arg4[%get3A_11, %get3A_12] : memref<1x256xf32, #tpu.memory_space<vmem>>, vector<1x256xf32>
    %add3A_14 = vector.broadcast %get3A_13 : vector<1x256xf32> to vector<2048x256xf32>
    %add3A_15 = arith.addf %mul3A_10, %add3A_14 : vector<2048x256xf32>
    %max3A = arith.constant 0.000000e+00 : f32
    %max3A_16 = vector.broadcast %max3A : f32 to vector<2048x256xf32>
    %max3A_17 = arith.maximumf %add3A_15, %max3A_16 : vector<2048x256xf32>
    %swap3A = arith.constant 0 : index
    %swap3A_18 = arith.constant 0 : index
    %swap3A_19 = vector.load %arg5[%swap3A, %swap3A_18] : memref<2048x256xf32, #tpu.memory_space<vmem>>, vector<2048x256xf32>
    tpu.vector_store %arg5[%swap3A, %swap3A_18], %max3A_17 {strides = array<i32>} : memref<2048x256xf32, #tpu.memory_space<vmem>>, vector<2048x256xf32>,
    return
  }
  func.func @transform_0(%arg0: i32) -> (i32, i32) {
    %c0_i32 = arith.constant 0 : i32
    %c0_i32_0 = arith.constant 0 : i32
    return %arg0, %c0_i32 : i32, i32
  }
  func.func @transform_1(%arg0: i32) -> (i32, i32) {
    %c0_i32 = arith.constant 0 : i32
    %c0_i32_0 = arith.constant 0 : i32
    return %arg0, %c0_i32 : i32, i32
  }
  func.func @transform_2(%arg0: i32) -> (i32, i32) {
    %c0_i32 = arith.constant 0 : i32
    %c0_i32_0 = arith.constant 0 : i32
    return %arg0, %c0_i32 : i32, i32
  }
  func.func @transform_3(%arg0: i32) -> (i32, i32) {
    %c0_i32 = arith.constant 0 : i32
    %c0_i32_0 = arith.constant 0 : i32
    %c0_i32_1 = arith.constant 0 : i32
    return %c0_i32, %c0_i32_0 : i32, i32
  }
  func.func @transform_4(%arg0: i32) -> (i32, i32) {
    %c0_i32 = arith.constant 0 : i32
    %c0_i32_0 = arith.constant 0 : i32
    return %arg0, %c0_i32 : i32, i32
  }
}

</mosaic_0001>

<sc_bundles>
// kernel: kernel.11.cloned.1.call-start
scs
__scs_entry_jumppad:
0x0: {  	(pc) =	sbr.rel $0x88, $3  }
0x1: {  	(tag) =	ssettag $0x0;
	lr =	simm.s32 $0x1  }
0x2: {  	[smem:$0x3F9B] =	sst lr;
	_ =	strace $0xD0000000  }
0x3: {  	_ = 	snop  }
0x4: {  	_ = 	snop  }
0x5: {  	_ = 	snop  }
0x6: {  	_ = 	snop  }
0x7: {  	_ = 	snop  }
__scs_overlays_trampoline_lowered:
0x8: {  	[smem:$0x3FAA] =	sst s0  }
0x9: {  	[smem:$0x3FAB] =	sst s1  }
0xa: {  	[smem:$0x3FAC] =	sst s2  }
0xb: {  	[smem:$0x3FAD] =	sst s3  }
0xc: {  	[smem:$0x3FAE] =	sst s4  }
0xd: {  	[smem:$0x3FAF] =	sst s5  }
0xe: {  	[smem:$0x3FB0] =	sst s6  }
0xf: {  	[smem:$0x3FB1] =	sst s7  }
0x10: {  	[smem:$0x3FB2] =	sst s8  }
0x11: {  	[smem:$0x3FB3] =	sst s9;
	s0 =	simm.s32 @!p0 $0x0  }
0x12: {  	s1 =	sld [smem:$0x3F99];
	s0 =	simm.s32 @p0 $0x1  }
0x13: {  	[smem:$0x3FB4] =	sst s0;
	s0 =	simm.s32 @!p1 $0x0  }
0x14: {  	s2 =	sld [smem:$0x3F98];
	s0 =	simm.s32 @p1 $0x1  }
0x15: {  	[smem:$0x3FB5] =	sst s0;
	s0 =	simm.s32 @!p2 $0x0  }
0x16: {  	s3 =	sld [smem:$0x3FDB];
	s0 =	simm.s32 @p2 $0x1  }
0x17: {  	s4 =	simm.s32 $0x1BF5;
	[smem:$0x3FB7] =	sst s0  }
0x18: {  	s0 =	sld [smem:$0x3F9A];
	_ =	swait.ge [sflag:s4], $0x0  }
0x19: {  	s7 =	sld [smem:$0x3F9B]  }
0x1a: {  	s8 =	sadd.s32 $0xFFFFE003, lr  }
0x1b: {  	s9 =	sadd.s32 $0xFFFFFEF7, lr;
	s5 =	simm.s32 $0xFFFFFFFF;
	p2 =	slt.u32 s8, $0xFFFFF086  }
0x1c: {  	p1 =	slt.u32 s9, $0xF7A;
	s5 =	simm.s32 @!p2 $0x0  }
0x1d: {  	s5 =	simm.s32 @p1 $0x1;
	p0 =	seq.s32 s7, s2  }
0x1e: {  	s7 =	smul.u32 @!p0 $0xF7A, s2;
	p2 =	seq.s32 @!p0 s5, $0x0  }
0x1f: {  	s9 =	smul.u32 $0xF7A, s1;
	s8 =	simm.s32 @!p0 $0x1BF5;
	p2 =	por !p2, p0  }
0x20: {  	[sflag:s8] =	ssyncset.s32 @!p0 $0xFFFFF086;
	s6 =	sadd.s32 @!p0 s3, s7;
	s7 =	simm.s32 @!p0 $0x108  }
0x21: {  	s3 =	sadd.s32 s3, s9;
	s6 =	sadd.s32 @!p0 $0x88, s6;
	s7 =	simm.s32 @p2 $0x1082  }
0x22: {  	[simem:s7], [sflag:s8] =	dma.local @!p0 [hbm:s6], $0xF7A  }
0x23: {  	s9 =	sor.u32 $0xD0000000, s2;
	s6 =	simm.s32 $0x108;
	_ =	swait.ge @!p0 [sflag:s8], $0x0  }
0x24: {  	s3 =	sadd.s32 $0x88, s3;
	s6 =	simm.s32 @!p1 $0x1082;
	[sflag:s4] =	ssyncset.s32 $0xFFFFF086  }
0x25: {  	[simem:s6], [sflag:s4] =	dma.local [hbm:s3], $0xF7A  }
0x26: {  	[smem:$0x3F9B] =	sst s1;
	(tag) =	ssettag s2;
	_ =	strace s9  }
0x27: {  	s1 =	sld [smem:$0x3FAB]  }
0x28: {  	s2 =	sld [smem:$0x3FAC]  }
0x29: {  	s4 =	sld [smem:$0x3FAE]  }
0x2a: {  	p0 =	seq.s32 s5, $0x0;
	s5 =	sld [smem:$0x3FAF]  }
0x2b: {  	s6 =	sld [smem:$0x3FB0]  }
0x2c: {  	s7 =	sld [smem:$0x3FB1]  }
0x2d: {  	s3 =	simm.s32 $0x108;
	s8 =	sld [smem:$0x3FB2]  }
0x2e: {  	s3 =	simm.s32 @!p0 $0x1082;
	s9 =	sld [smem:$0x3FB3]  }
0x2f: {  	lr =	sadd.s32 s0, s3;
	s0 =	sld [smem:$0x3FAA]  }
0x30: {  	s3 =	sld [smem:$0x3FAD]  }
0x31: {  	[smem:$0x3FB6] =	sst s10  }
0x32: {  	s10 =	sld [smem:$0x3FB4];
	_ =	sdelay $0x3  }
0x33: {  	p0 =	seq.s32 s10, $0x1;
	s10 =	sld [smem:$0x3FB6];
	_ =	sdelay $0x3  }
0x34: {  	[smem:$0x3FB6] =	sst s10  }
0x35: {  	s10 =	sld [smem:$0x3FB5];
	_ =	sdelay $0x3  }
0x36: {  	p1 =	seq.s32 s10, $0x1;
	s10 =	sld [smem:$0x3FB6];
	_ =	sdelay $0x3  }
0x37: {  	[smem:$0x3FB6] =	sst s10  }
0x38: {  	s10 =	sld [smem:$0x3FB7]  }
0x39: {  	_ = 	snop;
	(pc) =	sbr.ind lr, $3  }
0x3a: {  	_ = 	snop  }
0x3b: {  	_ = 	snop  }
0x3c: {  	p2 =	seq.s32 s10, $0x1;
	s10 =	sld [smem:$0x3FB6]  }
0x3d: {  	_ =	shalt  }
0x3e: {  	_ =	shalt  }
0x3f: {  	_ =	shalt  }
0x40: {  	_ =	shalt  }
0x41: {  	_ =	shalt  }
0x42: {  	_ =	shalt  }
0x43: {  	_ =	shalt  }
0x44: {  	_ =	shalt  }
0x45: {  	_ =	shalt  }
0x46: {  	_ =	shalt  }
0x47: {  	_ =	shalt  }
0x48: {  	_ =	shalt  }
0x49: {  	_ =	shalt  }
0x4a: {  	_ =	shalt  }
0x4b: {  	_ =	shalt  }
0x4c: {  	_ =	shalt  }
0x4d: {  	_ =	shalt  }
0x4e: {  	_ =	shalt  }
0x4f: {  	_ =	shalt  }
0x50: {  	_ =	shalt  }
0x51: {  	_ =	shalt  }
0x52: {  	_ =	shalt  }
0x53: {  	_ =	shalt  }
0x54: {  	_ =	shalt  }
0x55: {  	_ =	shalt  }
0x56: {  	_ =	shalt  }
0x57: {  	_ =	shalt  }
0x58: {  	_ =	shalt  }
0x59: {  	_ =	shalt  }
0x5a: {  	_ =	shalt  }
0x5b: {  	_ =	shalt  }
0x5c: {  	_ =	shalt  }
0x5d: {  	_ =	shalt  }
0x5e: {  	_ =	shalt  }
0x5f: {  	_ =	shalt  }
0x60: {  	_ =	shalt  }
0x61: {  	_ =	shalt  }
0x62: {  	_ =	shalt  }
0x63: {  	_ =	shalt  }
0x64: {  	_ =	shalt  }
0x65: {  	_ =	shalt  }
0x66: {  	_ =	shalt  }
0x67: {  	_ =	shalt  }
0x68: {  	_ =	shalt  }
0x69: {  	_ =	shalt  }
0x6a: {  	_ =	shalt  }
0x6b: {  	_ =	shalt  }
0x6c: {  	_ =	shalt  }
0x6d: {  	_ =	shalt  }
0x6e: {  	_ =	shalt  }
0x6f: {  	_ =	shalt  }
0x70: {  	_ =	shalt  }
0x71: {  	_ =	shalt  }
0x72: {  	_ =	shalt  }
0x73: {  	_ =	shalt  }
0x74: {  	_ =	shalt  }
0x75: {  	_ =	shalt  }
0x76: {  	_ =	shalt  }
0x77: {  	_ =	shalt  }
0x78: {  	_ =	shalt  }
0x79: {  	_ =	shalt  }
0x7a: {  	_ =	shalt  }
0x7b: {  	_ =	shalt  }
0x7c: {  	_ =	shalt  }
0x7d: {  	_ =	shalt  }
0x7e: {  	_ =	shalt  }
0x7f: {  	_ =	shalt  }
0x80: {  	_ =	shalt  }
0x81: {  	_ =	shalt  }
0x82: {  	_ =	shalt  }
0x83: {  	_ =	shalt  }
0x84: {  	_ =	shalt  }
0x85: {  	_ =	shalt  }
0x86: {  	_ =	shalt  }
0x87: {  	_ =	shalt  }
.Lfunc_end0:
.L_simem_size_0:
called_computation.1_lowered:
.L_overlay_start_0:
0x88: {  	s2 =	sld [smem:$0x3FD9]  }
0x89: {  	s3 =	sld [smem:$0x3FFE];
	_ =	sdelay $0x1  }
0x8a: {  	s1 =	srdreg.scid  }
0x8b: {  	s0 =	sand.u32 $0x1, s1  }
0x8c: {  	s17 =	sshll.u32 s0, $0xA;
	s2 =	sadd.s32 s3, s2  }
0x8d: {  	s2 =	sadd.s32 s2, s17  }
0x8e: {  	[smem:$0x3FC2] =	sst s2  }
0x8f: {  	_ = 	snop  }
0x90: {  	s2 =	sld [smem:$0x3FD0];
	(tm) =	ssettm $0x1  }
0x91: {  	s18 =	sld [smem:$0x3FFB];
	_ =	sdelay $0x3  }
0x92: {  	_ =	strace s18  }
0x93: {  	s3 =	sld [smem:$0x3FFC];
	_ =	sdelay $0x3  }
0x94: {  	_ =	strace s3  }
0x95: {  	s3 =	sld [smem:$0x3FFD];
	_ =	sdelay $0x3  }
0x96: {  	_ =	strace s3  }
0x97: {  	_ =	strace $0x8FFFFFFF  }
0x98: {  	s19 =	sld [smem:$0x3FDB];
	_ =	sdelay $0x1  }
0x99: {  	s4 =	simm.s32 $_scs_section_size  }
0x9a: {  	s5 =	simm.s32 $_size__tile_overlayer_lowered;
	s6 =	simm.s32 $_tile_overlayer_lowered  }
0x9b: {  	s22 =	simm.s32 $0x1BFF;
	s21 =	sshll.u32 s6, $0x1;
	s3 =	sadd.s32 s4, s19  }
0x9c: {  	s7 =	simm.s32 $0x0;
	s20 =	sshll.u32 s5, $0x1;
	s5 =	sadd.s32 s21, s3  }
0x9d: {  	[timem:s7], [sflag:s22] =	dma.local [hbm:s5], s20  }
0x9e: {  	_ =	swait.ge [sflag:s22], s20  }
0x9f: {  	s4 =	ssub.s32 $0x0, s20;
	[sflag:s22] =	ssyncset.done $0x0  }
0xa0: {  	[sflag:s22] =	ssyncadd.s32 s4;
	_ =	sdelay $0x1  }
0xa1: {  	s23 =	simm.s32 $0x1B8B  }
0xa2: {  	_ =	swait.ge [sflag:s23], $0x1  }
0xa3: {  	[sflag:s23] =	ssyncset.done $0x0  }
0xa4: {  	s25 =	simm.s32 $0x1B8E;
	s24 =	sld [smem:$0x3FFE];
	[sflag:s23] =	ssyncadd.s32 $0xFFFFFFFF  }
0xa5: {  	s26 =	simm.s32 $execute0_lowered;
	[smem:$0x3FD2] =	sst s25  }
0xa6: {  	s5 =	sshll.u32 s26, $0x1;
	_ =	strace $0x80000049;
	[dreg:$0x1] =	wrdreg $0xFFFFFFFF  }
0xa7: {  	s28 =	simm.s32 $_size_execute0_lowered;
	s3 =	sadd.s32 s3, s5;
	[dreg:$0x0] =	wrdreg $0x0  }
0xa8: {  	s5 =	sshll.u32 s28, $0x1;
	[dreg:$0x2] =	wrdreg s3  }
0xa9: {  	[dreg:$0x3] =	wrdreg s5  }
0xaa: {  	[dreg:$0x4] =	wrdreg $0xC0  }
0xab: {  	_ =	task [dreg:s7], $0x5FFFF  }
0xac: {  	[dreg:$0x1] =	wrdreg $0xFFFFFFFF  }
0xad: {  	[dreg:$0x0] =	wrdreg $0x60  }
0xae: {  	[dreg:$0x2] =	wrdreg s2  }
0xaf: {  	[dreg:$0x3] =	wrdreg s24  }
0xb0: {  	[dreg:$0x4] =	wrdreg $0x0  }
0xb1: {  	[dreg:$0x5] =	wrdreg $0x9  }
0xb2: {  	_ =	task.clear_ibuf [dreg:s7], $0x6FFFF;
	_ =	strace $0x90000049  }
0xb3: {  	s29 =	simm.s32 $0x9;
	_ =	strace $0x8000004B  }
0xb4: {  	_ =	swait.ge [sflag:s29], $0x1  }
0xb5: {  	[sflag:s29] =	ssyncadd.s32 $0xFFFFFFFF  }
0xb6: {  	_ =	strace $0x9000004B  }
0xb7: {  	_ =	sfence  }
0xb8: {  	s30 =	sld [smem:$0x0];
	_ =	sdelay $0x2  }
0xb9: {  	s31 =	sshll.u32 s1, $0xD;
	s1 =	sshrl.u32 s1, $0x2  }
0xba: {  	s3 =	sand.u32 $0x4000, s31;
	s1 =	sadd.s32 s1, s30  }
0xbb: {  	s0 =	sor.u32 s3, s0;
	s1 =	sshll.u32 s1, $0x11  }
0xbc: {  	s0 =	sor.u32 s1, s0  }
0xbd: {  	s0 =	sadd.s32 $0x8F2B, s0  }
0xbe: {  	[sflag:s0] =	ssyncadd.remote.s32 $0x1  }
0xbf: {  	_ =	sfence.sel $0xFFFF  }
0xc0: {  	[dreg:$0x0] =	wrdreg $0xFFFFFFFF;
	(pc) =	sbr.abs _section_cstart, $3  }
0xc1: {  	[dreg:$0x1] =	wrdreg $0xFFFFFFFF  }
0xc2: {  	_ =	task.clear_ibuf [dreg:s7], $0x2FFFF;
	_ =	strace $0x9FFFFFFF  }
0xc3: {  	(tm) =	ssettm $0x7FFFFFFF  }
tec
execute0_lowered:
.L_overlay_start_1:
0x0: {  	(tag) =	ssettag $0x1  }
0x1: {  	s1 =	rddreg [dreg:$0x0]  }
0x2: {  	s7 =	rddreg [dreg:$0x1]  }
0x3: {  	s3 =	rddreg [dreg:$0x2]  }
0x4: {  	s0 =	rddreg [dreg:$0x3];
	s4 =	simm.s32 $0x0;
	s2 =	stileid.u32  }
0x5: {  	s8 =	srdreg.scid;
	s16 =	simm.s32 $0x2;
	s17 =	simm.s32 $0x14000  }
0x6: {  	s18 =	simm.s32 $0x14080;
	s19 =	simm.s32 $0x50;
	s20 =	simm.s32 $0x14100  }
0x7: {  	s21 =	simm.s32 $0x1;
	s22 =	simm.s32 $0x0;
	s6 =	smul.u32 $0x4E2, s2  }
0x8: {  	[smem:$0x7FF] =	sst s4;
	s5 =	sadd.s32 $0x5E800, s7;
	s31 =	smul.u32 $0x50000, s2  }
0x9: {  	s9 =	sand.u32 $0x1, s8;
	s8 =	smul.u32 $0x2800, s2;
	s14 =	sshll.u32 s2, $0x6  }
0xa: {  	_ =	strace $0x8000004A;
	s10 =	ssub.s32 $0x2, s9;
	p0 =	seq.s32 s9, $0x1  }
.Ltmp0:
0xb: {  	s14 =	sor.u32 $0x1C02, s14;
	s13 =	sadd.s32 s6, s7;
	(pc) =	sbr.rel .LBB2_1-.Ltmp0, $4  }
0xc: {  	s6 =	sadd.s32 $0x86800, s7;
	s7 =	sadd.s32 $0xAE800, s7;
	s11 =	sshrl.u32 s10, $0x1  }
0xd: {  	s12 =	sshrl.u32 s31, $0x2;
	s9 =	sadd.s32 s1, s8;
	s11 =	ssub.s32 s10, s11  }
0xe: {  	s15 =	sadd.s32 s12, s3;
	s10 =	sadd.s32 s5, s8;
	s12 =	sadd.s32 $0x4200, s13  }
0xf: {  	s13 =	sadd.s32 $0x9200, s13;
	s11 =	smax.u32 s11, $0x1;
	s15 =	sshrl.u32 s15, $0x3  }
.LBB2_7:
0x10: {  	s24 =	sadd.s32 s23, s13;
	[sflag:s16] =	ssyncadd.s32 $0xFFFFD800  }
0x11: {  	[tilespmem:s17], [sflag:$0x2] =	stream.linear.gather [hbm4b:s24+s4], $0x50, $0x38;
	[tilespmem:$0x16900] =	vst v63  }
0x12: {  	_ =	swait.ge [sflag:s16], $0x50  }
0x13: {  	[sflag:s16] =	ssyncset.done $0x0  }
0x14: {  	s31 =	sadd.s32 s23, s12;
	[sflag:s16] =	ssyncadd.s32 $0xFFFFFFB0  }
0x15: {  	[tilespmem:s18], [sflag:$0x2] =	stream.linear.gather [hbm4b:s31+s4], $0x50, $0x38;
	[tilespmem:$0x16900] =	vst v63  }
0x16: {  	_ =	swait.ge [sflag:s16], $0x50  }
0x17: {  	[sflag:s16] =	ssyncset.done $0x0  }
0x18: {  	[sflag:s16] =	ssyncadd.s32 $0xFFFFFFB0  }
0x19: {  	[tilespmem:s20], [sflag:$0x1] =	stream.indirect.gather [hbm4b:s5+s19], $0x80, s17, s19, $0xb8;
	[tilespmem:$0x16900] =	vst v63  }
0x1a: {  	_ =	swait.ge [sflag:s21], $0x2800  }
0x1b: {  	[sflag:s21] =	ssyncset.done $0x0  }
0x1c: {  	[sflag:s21] =	ssyncadd.s32 $0xFFFFD800  }
0x1d: {  	[spmem:s3] =	stream.indirect.scatter.add.f32 [tilespmem:s20], [sflag:$0x2], $0x80, s18, s19, $0xb8;
	[tilespmem:$0x16900] =	vst v63  }
0x1e: {  	_ =	swait.ge [sflag:s16], $0x2800  }
0x1f: {  	[sflag:s16] =	ssyncset.done $0x0  }
0x20: {  	s23 =	smov.u32 s7;
	[sflag:s16] =	ssyncadd.s32 $0xFFFFD800  }
.LBB2_8:
0x21: {  	s22 =	sadd.s32 $0x1, s22  }
0x22: {  	p1 =	sne.s32 s22, s11  }
.Ltmp1:
0x23: {  	s23 =	sadd.s32 s23, s8;
	[bflag:$0x0] =	sbarrier.arrive $0xFFFF;
	(pc) =	sbr.rel @!p1 .LBB2_9-.Ltmp1, $4  }
0x24: {  	[hbm:s23], [sflag:s14] =	dma.local [spmem:s15], $0x2800  }
0x25: {  	_ =	swait.ge [sflag:s16], $0x2800  }
0x26: {  	[sflag:s16] =	ssyncset.done $0x0  }
0x27: {  	[sflag:s16] =	ssyncadd.s32 $0xFFFFD800  }
.LBB2_1:
.Ltmp2:
0x28: {  	(pc) =	sbr.rel @!p0 .LBB2_2-.Ltmp2, $1  }
0x29: {  	_ =	sdelay $0x3  }
0x2a: {  	[spmem:s15], [sflag:s14] =	dma.local [hbm:s10], $0x2800  }
0x2b: {  	_ =	swait.ge [sflag:s16], $0x2800  }
0x2c: {  	[sflag:s16] =	ssyncset.done $0x0  }
0x2d: {  	[sflag:s16] =	ssyncadd.s32 $0xFFFFD800  }
0x2e: {  	s23 =	sadd.s32 $0x0, s13;
	[bflag:$0x0] =	sbarrier.arrive $0xFFFF  }
0x2f: {  	[tilespmem:s17], [sflag:$0x2] =	stream.linear.gather [hbm4b:s23+s4], $0x50, $0x38;
	[tilespmem:$0x16900] =	vst v63  }
0x30: {  	_ =	swait.ge [sflag:s16], $0x50  }
0x31: {  	[sflag:s16] =	ssyncset.done $0x0  }
0x32: {  	s31 =	sadd.s32 $0x0, s12;
	[sflag:s16] =	ssyncadd.s32 $0xFFFFFFB0  }
0x33: {  	[tilespmem:s18], [sflag:$0x2] =	stream.linear.gather [hbm4b:s31+s4], $0x50, $0x38;
	[tilespmem:$0x16900] =	vst v63  }
0x34: {  	_ =	swait.ge [sflag:s16], $0x50  }
0x35: {  	[sflag:s16] =	ssyncset.done $0x0  }
0x36: {  	[sflag:s16] =	ssyncadd.s32 $0xFFFFFFB0  }
0x37: {  	[tilespmem:s20], [sflag:$0x1] =	stream.indirect.gather [hbm4b:s5+s19], $0x80, s17, s19, $0xb8;
	[tilespmem:$0x16900] =	vst v63  }
0x38: {  	_ =	swait.ge [sflag:s21], $0x2800  }
0x39: {  	[sflag:s21] =	ssyncset.done $0x0  }
0x3a: {  	[sflag:s21] =	ssyncadd.s32 $0xFFFFD800  }
0x3b: {  	[spmem:s3] =	stream.indirect.scatter.add.f32 [tilespmem:s20], [sflag:$0x2], $0x80, s18, s19, $0xb8;
	[tilespmem:$0x16900] =	vst v63  }
0x3c: {  	_ =	swait.ge [sflag:s16], $0x2800  }
0x3d: {  	s24 =	simm.s32 $0x14;
	s23 =	simm.s32 $0xA;
	[sflag:s16] =	ssyncset.done $0x0  }
.LBB2_6:
0x3e: {  	s25 =	sadd.s32 s23, s13  }
0x3f: {  	[sflag:s16] =	ssyncadd.s32 $0xFFFFD800;
	s26 =	smov.u32 s24;
	s28 =	sadd.s32 $0xA, s24  }
0x40: {  	[tilespmem:s17], [sflag:$0x2] =	stream.linear.gather [hbm4b:s25+s4], $0x50, $0x38;
	[tilespmem:$0x16900] =	vst v63  }
0x41: {  	p1 =	sne.s32 s24, $0x4D8;
	_ =	swait.ge [sflag:s16], $0x50  }
0x42: {  	[sflag:s16] =	ssyncset.done $0x0  }
0x43: {  	s24 =	sadd.s32 s23, s12;
	s23 =	smov.u32 s26;
	[sflag:s16] =	ssyncadd.s32 $0xFFFFFFB0  }
0x44: {  	[tilespmem:s18], [sflag:$0x2] =	stream.linear.gather [hbm4b:s24+s4], $0x50, $0x38;
	[tilespmem:$0x16900] =	vst v63  }
0x45: {  	_ =	swait.ge [sflag:s16], $0x50  }
0x46: {  	[sflag:s16] =	ssyncset.done $0x0  }
0x47: {  	[sflag:s16] =	ssyncadd.s32 $0xFFFFFFB0  }
0x48: {  	[tilespmem:s20], [sflag:$0x1] =	stream.indirect.gather [hbm4b:s5+s19], $0x80, s17, s19, $0xb8;
	[tilespmem:$0x16900] =	vst v63  }
0x49: {  	_ =	swait.ge [sflag:s21], $0x2800  }
.Ltmp3:
0x4a: {  	[sflag:s21] =	ssyncset.done $0x0;
	(pc) =	sbr.rel @p1 .LBB2_6-.Ltmp3, $4  }
0x4b: {  	[sflag:s21] =	ssyncadd.s32 $0xFFFFD800  }
0x4c: {  	[spmem:s3] =	stream.indirect.scatter.add.f32 [tilespmem:s20], [sflag:$0x2], $0x80, s18, s19, $0xb8;
	[tilespmem:$0x16900] =	vst v63  }
0x4d: {  	_ =	swait.ge [sflag:s16], $0x2800  }
0x4e: {  	s24 =	smov.u32 s28;
	[sflag:s16] =	ssyncset.done $0x0  }
.Ltmp4:
0x4f: {  	_ = 	snop;
	(pc) =	sbr.rel .LBB2_7-.Ltmp4, $1  }
0x50: {  	_ =	sdelay $0x3  }
.LBB2_2:
0x51: {  	[spmem:s15], [sflag:s14] =	dma.local [hbm:s9], $0x2800  }
0x52: {  	_ =	swait.ge [sflag:s16], $0x2800  }
0x53: {  	[sflag:s16] =	ssyncset.done $0x0  }
0x54: {  	[sflag:s16] =	ssyncadd.s32 $0xFFFFD800  }
0x55: {  	s23 =	sadd.s32 $0x0, s13;
	[bflag:$0x0] =	sbarrier.arrive $0xFFFF  }
0x56: {  	[tilespmem:s17], [sflag:$0x2] =	stream.linear.gather [hbm4b:s23+s4], $0x50, $0x38;
	[tilespmem:$0x16900] =	vst v63  }
0x57: {  	_ =	swait.ge [sflag:s16], $0x50  }
0x58: {  	[sflag:s16] =	ssyncset.done $0x0  }
0x59: {  	s31 =	sadd.s32 $0x0, s12;
	[sflag:s16] =	ssyncadd.s32 $0xFFFFFFB0  }
0x5a: {  	[tilespmem:s18], [sflag:$0x2] =	stream.linear.gather [hbm4b:s31+s4], $0x50, $0x38;
	[tilespmem:$0x16900] =	vst v63  }
0x5b: {  	_ =	swait.ge [sflag:s16], $0x50  }
0x5c: {  	[sflag:s16] =	ssyncset.done $0x0  }
0x5d: {  	[sflag:s16] =	ssyncadd.s32 $0xFFFFFFB0  }
0x5e: {  	[tilespmem:s20], [sflag:$0x1] =	stream.indirect.gather [hbm4b:s1+s19], $0x80, s17, s19, $0xb8;
	[tilespmem:$0x16900] =	vst v63  }
0x5f: {  	_ =	swait.ge [sflag:s21], $0x2800  }
0x60: {  	[sflag:s21] =	ssyncset.done $0x0  }
0x61: {  	[sflag:s21] =	ssyncadd.s32 $0xFFFFD800  }
0x62: {  	[spmem:s3] =	stream.indirect.scatter.add.f32 [tilespmem:s20], [sflag:$0x2], $0x80, s18, s19, $0xb8;
	[tilespmem:$0x16900] =	vst v63  }
0x63: {  	_ =	swait.ge [sflag:s16], $0x2800  }
0x64: {  	s24 =	simm.s32 $0x14;
	s23 =	simm.s32 $0xA;
	[sflag:s16] =	ssyncset.done $0x0  }
.LBB2_3:
0x65: {  	s25 =	sadd.s32 s23, s13  }
0x66: {  	[sflag:s16] =	ssyncadd.s32 $0xFFFFD800;
	s26 =	smov.u32 s24;
	s28 =	sadd.s32 $0xA, s24  }
0x67: {  	[tilespmem:s17], [sflag:$0x2] =	stream.linear.gather [hbm4b:s25+s4], $0x50, $0x38;
	[tilespmem:$0x16900] =	vst v63  }
0x68: {  	p1 =	seq.s32 s24, $0x4D8;
	_ =	swait.ge [sflag:s16], $0x50  }
0x69: {  	[sflag:s16] =	ssyncset.done $0x0  }
0x6a: {  	s24 =	sadd.s32 s23, s12;
	s23 =	smov.u32 s26;
	[sflag:s16] =	ssyncadd.s32 $0xFFFFFFB0  }
0x6b: {  	[tilespmem:s18], [sflag:$0x2] =	stream.linear.gather [hbm4b:s24+s4], $0x50, $0x38;
	[tilespmem:$0x16900] =	vst v63  }
0x6c: {  	_ =	swait.ge [sflag:s16], $0x50  }
0x6d: {  	[sflag:s16] =	ssyncset.done $0x0  }
0x6e: {  	[sflag:s16] =	ssyncadd.s32 $0xFFFFFFB0  }
0x6f: {  	[tilespmem:s20], [sflag:$0x1] =	stream.indirect.gather [hbm4b:s1+s19], $0x80, s17, s19, $0xb8;
	[tilespmem:$0x16900] =	vst v63  }
0x70: {  	_ =	swait.ge [sflag:s21], $0x2800  }
.Ltmp5:
0x71: {  	[sflag:s21] =	ssyncset.done $0x0;
	(pc) =	sbr.rel @!p1 .LBB2_3-.Ltmp5, $4  }
0x72: {  	[sflag:s21] =	ssyncadd.s32 $0xFFFFD800  }
0x73: {  	[spmem:s3] =	stream.indirect.scatter.add.f32 [tilespmem:s20], [sflag:$0x2], $0x80, s18, s19, $0xb8;
	[tilespmem:$0x16900] =	vst v63  }
0x74: {  	_ =	swait.ge [sflag:s16], $0x2800  }
0x75: {  	s24 =	smov.u32 s28;
	[sflag:s16] =	ssyncset.done $0x0  }
0x76: {  	s24 =	sadd.s32 s23, s13;
	[sflag:s16] =	ssyncadd.s32 $0xFFFFD800  }
0x77: {  	[tilespmem:s17], [sflag:$0x2] =	stream.linear.gather [hbm4b:s24+s4], $0x50, $0x38;
	[tilespmem:$0x16900] =	vst v63  }
0x78: {  	_ =	swait.ge [sflag:s16], $0x50  }
0x79: {  	[sflag:s16] =	ssyncset.done $0x0  }
0x7a: {  	s31 =	sadd.s32 s23, s12;
	[sflag:s16] =	ssyncadd.s32 $0xFFFFFFB0  }
0x7b: {  	[tilespmem:s18], [sflag:$0x2] =	stream.linear.gather [hbm4b:s31+s4], $0x50, $0x38;
	[tilespmem:$0x16900] =	vst v63  }
0x7c: {  	_ =	swait.ge [sflag:s16], $0x50  }
0x7d: {  	[sflag:s16] =	ssyncset.done $0x0  }
0x7e: {  	[sflag:s16] =	ssyncadd.s32 $0xFFFFFFB0  }
0x7f: {  	[tilespmem:s20], [sflag:$0x1] =	stream.indirect.gather [hbm4b:s1+s19], $0x80, s17, s19, $0xb8;
	[tilespmem:$0x16900] =	vst v63  }
0x80: {  	_ =	swait.ge [sflag:s21], $0x2800  }
0x81: {  	[sflag:s21] =	ssyncset.done $0x0  }
.Ltmp6:
0x82: {  	[sflag:s21] =	ssyncadd.s32 $0xFFFFD800;
	(pc) =	sbr.rel .LBB2_8-.Ltmp6, $4  }
0x83: {  	[spmem:s3] =	stream.indirect.scatter.add.f32 [tilespmem:s20], [sflag:$0x2], $0x80, s18, s19, $0xb8;
	[tilespmem:$0x16900] =	vst v63  }
0x84: {  	_ =	swait.ge [sflag:s16], $0x2800  }
0x85: {  	[sflag:s16] =	ssyncset.done $0x0  }
0x86: {  	s23 =	smov.u32 s6;
	[sflag:s16] =	ssyncadd.s32 $0xFFFFD800  }
.LBB2_9:
0x87: {  	_ =	sfence.sel $0x180000  }
0x88: {  	[bflag:$0x0] =	sbarrier.arrive $0xFFFF  }
0x89: {  	p0 =	sne.s32 s2, $0x0;
	_ =	strace $0x9000004A  }
0x8a: {  	s0 =	sadd.s32 @!p0 $0x100000, s0;
	[bflag:$0x2] =	sbarrier.arrive $0xFFFF  }
0x8b: {  	[sflag:s0] =	ssyncadd.tile.s32 @!p0 $0x1;
	_ =	shalt  }
.Lfunc_end2:
_tile_overlayer_lowered:
.L_overlay_start_2:
0x8c: {  	(tag) =	ssettag $0x2  }
0x8d: {  	s0 =	rddreg [dreg:$0x0];
	s2 =	stileid.u32  }
0x8e: {  	s1 =	rddreg [dreg:$0x1];
	p0 =	sne.s32 s2, $0x0  }
0x8f: {  	s3 =	rddreg [dreg:$0x2];
	[bflag:$0x3] =	sbarrier.arrive $0xFFFF;
	s2 =	simm.s32 @!p0 $0x1C02  }
0x90: {  	[timem:s3], [sflag:s2] =	dma.local @!p0 [hbm:s0], s1  }
0x91: {  	s0 =	simm.s32 @!p0 $0x2  }
0x92: {  	_ =	swait.ge @!p0 [sflag:s0], s1  }
0x93: {  	s1 =	ssub.s32 @!p0 $0x0, s1;
	[sflag:s0] =	ssyncset.done @!p0 $0x0  }
0x94: {  	[sflag:s0] =	ssyncadd.s32 @!p0 s1  }
0x95: {  	[bflag:$0x3] =	sbarrier.arrive $0xFFFF  }
0x96: {  	_ =	shalt  }

// kernel: kernel.14.cloned.1.call-start
scs
__scs_entry_jumppad:
0x0: {  	(pc) =	sbr.rel $0x88, $3  }
0x1: {  	(tag) =	ssettag $0x0;
	lr =	simm.s32 $0x1  }
0x2: {  	[smem:$0x3F9B] =	sst lr;
	_ =	strace $0xD0000000  }
0x3: {  	_ = 	snop  }
0x4: {  	_ = 	snop  }
0x5: {  	_ = 	snop  }
0x6: {  	_ = 	snop  }
0x7: {  	_ = 	snop  }
__scs_overlays_trampoline_lowered:
0x8: {  	[smem:$0x3FAA] =	sst s0  }
0x9: {  	[smem:$0x3FAB] =	sst s1  }
0xa: {  	[smem:$0x3FAC] =	sst s2  }
0xb: {  	[smem:$0x3FAD] =	sst s3  }
0xc: {  	[smem:$0x3FAE] =	sst s4  }
0xd: {  	[smem:$0x3FAF] =	sst s5  }
0xe: {  	[smem:$0x3FB0] =	sst s6  }
0xf: {  	[smem:$0x3FB1] =	sst s7  }
0x10: {  	[smem:$0x3FB2] =	sst s8  }
0x11: {  	[smem:$0x3FB3] =	sst s9;
	s0 =	simm.s32 @!p0 $0x0  }
0x12: {  	s1 =	sld [smem:$0x3F99];
	s0 =	simm.s32 @p0 $0x1  }
0x13: {  	[smem:$0x3FB4] =	sst s0;
	s0 =	simm.s32 @!p1 $0x0  }
0x14: {  	s2 =	sld [smem:$0x3F98];
	s0 =	simm.s32 @p1 $0x1  }
0x15: {  	[smem:$0x3FB5] =	sst s0;
	s0 =	simm.s32 @!p2 $0x0  }
0x16: {  	s3 =	sld [smem:$0x3FDB];
	s0 =	simm.s32 @p2 $0x1  }
0x17: {  	s4 =	simm.s32 $0x1BF5;
	[smem:$0x3FB7] =	sst s0  }
0x18: {  	s0 =	sld [smem:$0x3F9A];
	_ =	swait.ge [sflag:s4], $0x0  }
0x19: {  	s7 =	sld [smem:$0x3F9B]  }
0x1a: {  	s8 =	sadd.s32 $0xFFFFE003, lr  }
0x1b: {  	s9 =	sadd.s32 $0xFFFFFEF7, lr;
	s5 =	simm.s32 $0xFFFFFFFF;
	p2 =	slt.u32 s8, $0xFFFFF086  }
0x1c: {  	p1 =	slt.u32 s9, $0xF7A;
	s5 =	simm.s32 @!p2 $0x0  }
0x1d: {  	s5 =	simm.s32 @p1 $0x1;
	p0 =	seq.s32 s7, s2  }
0x1e: {  	s7 =	smul.u32 @!p0 $0xF7A, s2;
	p2 =	seq.s32 @!p0 s5, $0x0  }
0x1f: {  	s9 =	smul.u32 $0xF7A, s1;
	s8 =	simm.s32 @!p0 $0x1BF5;
	p2 =	por !p2, p0  }
0x20: {  	[sflag:s8] =	ssyncset.s32 @!p0 $0xFFFFF086;
	s6 =	sadd.s32 @!p0 s3, s7;
	s7 =	simm.s32 @!p0 $0x108  }
0x21: {  	s3 =	sadd.s32 s3, s9;
	s6 =	sadd.s32 @!p0 $0x88, s6;
	s7 =	simm.s32 @p2 $0x1082  }
0x22: {  	[simem:s7], [sflag:s8] =	dma.local @!p0 [hbm:s6], $0xF7A  }
0x23: {  	s9 =	sor.u32 $0xD0000000, s2;
	s6 =	simm.s32 $0x108;
	_ =	swait.ge @!p0 [sflag:s8], $0x0  }
0x24: {  	s3 =	sadd.s32 $0x88, s3;
	s6 =	simm.s32 @!p1 $0x1082;
	[sflag:s4] =	ssyncset.s32 $0xFFFFF086  }
0x25: {  	[simem:s6], [sflag:s4] =	dma.local [hbm:s3], $0xF7A  }
0x26: {  	[smem:$0x3F9B] =	sst s1;
	(tag) =	ssettag s2;
	_ =	strace s9  }
0x27: {  	s1 =	sld [smem:$0x3FAB]  }
0x28: {  	s2 =	sld [smem:$0x3FAC]  }
0x29: {  	s4 =	sld [smem:$0x3FAE]  }
0x2a: {  	p0 =	seq.s32 s5, $0x0;
	s5 =	sld [smem:$0x3FAF]  }
0x2b: {  	s6 =	sld [smem:$0x3FB0]  }
0x2c: {  	s7 =	sld [smem:$0x3FB1]  }
0x2d: {  	s3 =	simm.s32 $0x108;
	s8 =	sld [smem:$0x3FB2]  }
0x2e: {  	s3 =	simm.s32 @!p0 $0x1082;
	s9 =	sld [smem:$0x3FB3]  }
0x2f: {  	lr =	sadd.s32 s0, s3;
	s0 =	sld [smem:$0x3FAA]  }
0x30: {  	s3 =	sld [smem:$0x3FAD]  }
0x31: {  	[smem:$0x3FB6] =	sst s10  }
0x32: {  	s10 =	sld [smem:$0x3FB4];
	_ =	sdelay $0x3  }
0x33: {  	p0 =	seq.s32 s10, $0x1;
	s10 =	sld [smem:$0x3FB6];
	_ =	sdelay $0x3  }
0x34: {  	[smem:$0x3FB6] =	sst s10  }
0x35: {  	s10 =	sld [smem:$0x3FB5];
	_ =	sdelay $0x3  }
0x36: {  	p1 =	seq.s32 s10, $0x1;
	s10 =	sld [smem:$0x3FB6];
	_ =	sdelay $0x3  }
0x37: {  	[smem:$0x3FB6] =	sst s10  }
0x38: {  	s10 =	sld [smem:$0x3FB7]  }
0x39: {  	_ = 	snop;
	(pc) =	sbr.ind lr, $3  }
0x3a: {  	_ = 	snop  }
0x3b: {  	_ = 	snop  }
0x3c: {  	p2 =	seq.s32 s10, $0x1;
	s10 =	sld [smem:$0x3FB6]  }
0x3d: {  	_ =	shalt  }
0x3e: {  	_ =	shalt  }
0x3f: {  	_ =	shalt  }
0x40: {  	_ =	shalt  }
0x41: {  	_ =	shalt  }
0x42: {  	_ =	shalt  }
0x43: {  	_ =	shalt  }
0x44: {  	_ =	shalt  }
0x45: {  	_ =	shalt  }
0x46: {  	_ =	shalt  }
0x47: {  	_ =	shalt  }
0x48: {  	_ =	shalt  }
0x49: {  	_ =	shalt  }
0x4a: {  	_ =	shalt  }
0x4b: {  	_ =	shalt  }
0x4c: {  	_ =	shalt  }
0x4d: {  	_ =	shalt  }
0x4e: {  	_ =	shalt  }
0x4f: {  	_ =	shalt  }
0x50: {  	_ =	shalt  }
0x51: {  	_ =	shalt  }
0x52: {  	_ =	shalt  }
0x53: {  	_ =	shalt  }
0x54: {  	_ =	shalt  }
0x55: {  	_ =	shalt  }
0x56: {  	_ =	shalt  }
0x57: {  	_ =	shalt  }
0x58: {  	_ =	shalt  }
0x59: {  	_ =	shalt  }
0x5a: {  	_ =	shalt  }
0x5b: {  	_ =	shalt  }
0x5c: {  	_ =	shalt  }
0x5d: {  	_ =	shalt  }
0x5e: {  	_ =	shalt  }
0x5f: {  	_ =	shalt  }
0x60: {  	_ =	shalt  }
0x61: {  	_ =	shalt  }
0x62: {  	_ =	shalt  }
0x63: {  	_ =	shalt  }
0x64: {  	_ =	shalt  }
0x65: {  	_ =	shalt  }
0x66: {  	_ =	shalt  }
0x67: {  	_ =	shalt  }
0x68: {  	_ =	shalt  }
0x69: {  	_ =	shalt  }
0x6a: {  	_ =	shalt  }
0x6b: {  	_ =	shalt  }
0x6c: {  	_ =	shalt  }
0x6d: {  	_ =	shalt  }
0x6e: {  	_ =	shalt  }
0x6f: {  	_ =	shalt  }
0x70: {  	_ =	shalt  }
0x71: {  	_ =	shalt  }
0x72: {  	_ =	shalt  }
0x73: {  	_ =	shalt  }
0x74: {  	_ =	shalt  }
0x75: {  	_ =	shalt  }
0x76: {  	_ =	shalt  }
0x77: {  	_ =	shalt  }
0x78: {  	_ =	shalt  }
0x79: {  	_ =	shalt  }
0x7a: {  	_ =	shalt  }
0x7b: {  	_ =	shalt  }
0x7c: {  	_ =	shalt  }
0x7d: {  	_ =	shalt  }
0x7e: {  	_ =	shalt  }
0x7f: {  	_ =	shalt  }
0x80: {  	_ =	shalt  }
0x81: {  	_ =	shalt  }
0x82: {  	_ =	shalt  }
0x83: {  	_ =	shalt  }
0x84: {  	_ =	shalt  }
0x85: {  	_ =	shalt  }
0x86: {  	_ =	shalt  }
0x87: {  	_ =	shalt  }
.Lfunc_end0:
.L_simem_size_0:
called_computation.2_lowered:
.L_overlay_start_0:
0x88: {  	s2 =	sld [smem:$0x3FD9]  }
0x89: {  	s3 =	sld [smem:$0x3FFE];
	_ =	sdelay $0x1  }
0x8a: {  	s1 =	srdreg.scid  }
0x8b: {  	s0 =	sand.u32 $0x1, s1  }
0x8c: {  	s17 =	sshll.u32 s0, $0xA;
	s2 =	sadd.s32 s3, s2  }
0x8d: {  	s2 =	sadd.s32 s2, s17  }
0x8e: {  	[smem:$0x3FC2] =	sst s2  }
0x8f: {  	_ = 	snop  }
0x90: {  	s2 =	sld [smem:$0x3FD0];
	(tm) =	ssettm $0x1  }
0x91: {  	s18 =	sld [smem:$0x3FFB];
	_ =	sdelay $0x3  }
0x92: {  	_ =	strace s18  }
0x93: {  	s3 =	sld [smem:$0x3FFC];
	_ =	sdelay $0x3  }
0x94: {  	_ =	strace s3  }
0x95: {  	s3 =	sld [smem:$0x3FFD];
	_ =	sdelay $0x3  }
0x96: {  	_ =	strace s3  }
0x97: {  	_ =	strace $0x8FFFFFFF  }
0x98: {  	s19 =	sld [smem:$0x3FDB];
	_ =	sdelay $0x1  }
0x99: {  	s4 =	simm.s32 $_scs_section_size  }
0x9a: {  	s5 =	simm.s32 $_size__tile_overlayer_lowered;
	s6 =	simm.s32 $_tile_overlayer_lowered  }
0x9b: {  	s22 =	simm.s32 $0x1BFF;
	s21 =	sshll.u32 s6, $0x1;
	s3 =	sadd.s32 s4, s19  }
0x9c: {  	s7 =	simm.s32 $0x0;
	s20 =	sshll.u32 s5, $0x1;
	s5 =	sadd.s32 s21, s3  }
0x9d: {  	[timem:s7], [sflag:s22] =	dma.local [hbm:s5], s20  }
0x9e: {  	_ =	swait.ge [sflag:s22], s20  }
0x9f: {  	s4 =	ssub.s32 $0x0, s20;
	[sflag:s22] =	ssyncset.done $0x0  }
0xa0: {  	[sflag:s22] =	ssyncadd.s32 s4;
	_ =	sdelay $0x1  }
0xa1: {  	s23 =	simm.s32 $0x1B8B  }
0xa2: {  	_ =	swait.ge [sflag:s23], $0x1  }
0xa3: {  	[sflag:s23] =	ssyncset.done $0x0  }
0xa4: {  	s25 =	simm.s32 $0x1B8E;
	s24 =	sld [smem:$0x3FFE];
	[sflag:s23] =	ssyncadd.s32 $0xFFFFFFFF  }
0xa5: {  	s26 =	simm.s32 $execute0_lowered;
	[smem:$0x3FD2] =	sst s25  }
0xa6: {  	s5 =	sshll.u32 s26, $0x1;
	_ =	strace $0x8000004C;
	[dreg:$0x1] =	wrdreg $0xFFFFFFFF  }
0xa7: {  	s28 =	simm.s32 $_size_execute0_lowered;
	s3 =	sadd.s32 s3, s5;
	[dreg:$0x0] =	wrdreg $0x0  }
0xa8: {  	s5 =	sshll.u32 s28, $0x1;
	[dreg:$0x2] =	wrdreg s3  }
0xa9: {  	[dreg:$0x3] =	wrdreg s5  }
0xaa: {  	[dreg:$0x4] =	wrdreg $0xC0  }
0xab: {  	_ =	task [dreg:s7], $0x5FFFF  }
0xac: {  	[dreg:$0x1] =	wrdreg $0xFFFFFFFF  }
0xad: {  	[dreg:$0x0] =	wrdreg $0x60  }
0xae: {  	[dreg:$0x2] =	wrdreg s2  }
0xaf: {  	[dreg:$0x3] =	wrdreg s24  }
0xb0: {  	[dreg:$0x4] =	wrdreg $0x0  }
0xb1: {  	[dreg:$0x5] =	wrdreg $0x9  }
0xb2: {  	_ =	task.clear_ibuf [dreg:s7], $0x6FFFF;
	_ =	strace $0x9000004C  }
0xb3: {  	s29 =	simm.s32 $0x9;
	_ =	strace $0x8000004E  }
0xb4: {  	_ =	swait.ge [sflag:s29], $0x1  }
0xb5: {  	[sflag:s29] =	ssyncadd.s32 $0xFFFFFFFF  }
0xb6: {  	_ =	strace $0x9000004E  }
0xb7: {  	_ =	sfence  }
0xb8: {  	s30 =	sld [smem:$0x0];
	_ =	sdelay $0x2  }
0xb9: {  	s31 =	sshll.u32 s1, $0xD;
	s1 =	sshrl.u32 s1, $0x2  }
0xba: {  	s3 =	sand.u32 $0x4000, s31;
	s1 =	sadd.s32 s1, s30  }
0xbb: {  	s0 =	sor.u32 s3, s0;
	s1 =	sshll.u32 s1, $0x11  }
0xbc: {  	s0 =	sor.u32 s1, s0  }
0xbd: {  	s0 =	sadd.s32 $0x8F2B, s0  }
0xbe: {  	[sflag:s0] =	ssyncadd.remote.s32 $0x1  }
0xbf: {  	_ =	sfence.sel $0xFFFF  }
0xc0: {  	[dreg:$0x0] =	wrdreg $0xFFFFFFFF;
	(pc) =	sbr.abs _section_cstart, $3  }
0xc1: {  	[dreg:$0x1] =	wrdreg $0xFFFFFFFF  }
0xc2: {  	_ =	task.clear_ibuf [dreg:s7], $0x2FFFF;
	_ =	strace $0x9FFFFFFF  }
0xc3: {  	(tm) =	ssettm $0x7FFFFFFF  }
tec
execute0_lowered:
.L_overlay_start_1:
0x0: {  	(tag) =	ssettag $0x1  }
0x1: {  	s1 =	rddreg [dreg:$0x0]  }
0x2: {  	s7 =	rddreg [dreg:$0x1]  }
0x3: {  	s3 =	rddreg [dreg:$0x2]  }
0x4: {  	s0 =	rddreg [dreg:$0x3];
	s4 =	simm.s32 $0x0;
	s2 =	stileid.u32  }
0x5: {  	s8 =	srdreg.scid;
	s16 =	simm.s32 $0x2;
	s17 =	simm.s32 $0x14000  }
0x6: {  	s18 =	simm.s32 $0x14080;
	s19 =	simm.s32 $0x50;
	s20 =	simm.s32 $0x14100  }
0x7: {  	s21 =	simm.s32 $0x1;
	s22 =	simm.s32 $0x0;
	s6 =	smul.u32 $0x4E2, s2  }
0x8: {  	[smem:$0x7FF] =	sst s4;
	s5 =	sadd.s32 $0xE200, s7;
	s31 =	smul.u32 $0x50000, s2  }
0x9: {  	s9 =	sand.u32 $0x1, s8;
	s8 =	smul.u32 $0x2800, s2;
	s14 =	sshll.u32 s2, $0x6  }
0xa: {  	_ =	strace $0x8000004D;
	s10 =	ssub.s32 $0x2, s9;
	p0 =	seq.s32 s9, $0x1  }
.Ltmp0:
0xb: {  	s14 =	sor.u32 $0x1C02, s14;
	s13 =	sadd.s32 s6, s7;
	(pc) =	sbr.rel .LBB2_1-.Ltmp0, $4  }
0xc: {  	s6 =	sadd.s32 $0x5E800, s7;
	s7 =	sadd.s32 $0x86800, s7;
	s11 =	sshrl.u32 s10, $0x1  }
0xd: {  	s12 =	sshrl.u32 s31, $0x2;
	s9 =	sadd.s32 s1, s8;
	s11 =	ssub.s32 s10, s11  }
0xe: {  	s15 =	sadd.s32 s12, s3;
	s10 =	sadd.s32 s5, s8;
	s12 =	sadd.s32 $0x4200, s13  }
0xf: {  	s13 =	sadd.s32 $0x9200, s13;
	s11 =	smax.u32 s11, $0x1;
	s15 =	sshrl.u32 s15, $0x3  }
.LBB2_7:
0x10: {  	s24 =	sadd.s32 s23, s13;
	[sflag:s16] =	ssyncadd.s32 $0xFFFFD800  }
0x11: {  	[tilespmem:s17], [sflag:$0x2] =	stream.linear.gather [hbm4b:s24+s4], $0x50, $0x38;
	[tilespmem:$0x16900] =	vst v63  }
0x12: {  	_ =	swait.ge [sflag:s16], $0x50  }
0x13: {  	[sflag:s16] =	ssyncset.done $0x0  }
0x14: {  	s31 =	sadd.s32 s23, s12;
	[sflag:s16] =	ssyncadd.s32 $0xFFFFFFB0  }
0x15: {  	[tilespmem:s18], [sflag:$0x2] =	stream.linear.gather [hbm4b:s31+s4], $0x50, $0x38;
	[tilespmem:$0x16900] =	vst v63  }
0x16: {  	_ =	swait.ge [sflag:s16], $0x50  }
0x17: {  	[sflag:s16] =	ssyncset.done $0x0  }
0x18: {  	[sflag:s16] =	ssyncadd.s32 $0xFFFFFFB0  }
0x19: {  	[tilespmem:s20], [sflag:$0x1] =	stream.indirect.gather [hbm4b:s5+s19], $0x80, s17, s19, $0xb8;
	[tilespmem:$0x16900] =	vst v63  }
0x1a: {  	_ =	swait.ge [sflag:s21], $0x2800  }
0x1b: {  	[sflag:s21] =	ssyncset.done $0x0  }
0x1c: {  	[sflag:s21] =	ssyncadd.s32 $0xFFFFD800  }
0x1d: {  	[spmem:s3] =	stream.indirect.scatter.add.f32 [tilespmem:s20], [sflag:$0x2], $0x80, s18, s19, $0xb8;
	[tilespmem:$0x16900] =	vst v63  }
0x1e: {  	_ =	swait.ge [sflag:s16], $0x2800  }
0x1f: {  	[sflag:s16] =	ssyncset.done $0x0  }
0x20: {  	s23 =	smov.u32 s7;
	[sflag:s16] =	ssyncadd.s32 $0xFFFFD800  }
.LBB2_8:
0x21: {  	s22 =	sadd.s32 $0x1, s22  }
0x22: {  	p1 =	sne.s32 s22, s11  }
.Ltmp1:
0x23: {  	s23 =	sadd.s32 s23, s8;
	[bflag:$0x0] =	sbarrier.arrive $0xFFFF;
	(pc) =	sbr.rel @!p1 .LBB2_9-.Ltmp1, $4  }
0x24: {  	[hbm:s23], [sflag:s14] =	dma.local [spmem:s15], $0x2800  }
0x25: {  	_ =	swait.ge [sflag:s16], $0x2800  }
0x26: {  	[sflag:s16] =	ssyncset.done $0x0  }
0x27: {  	[sflag:s16] =	ssyncadd.s32 $0xFFFFD800  }
.LBB2_1:
.Ltmp2:
0x28: {  	(pc) =	sbr.rel @!p0 .LBB2_2-.Ltmp2, $1  }
0x29: {  	_ =	sdelay $0x3  }
0x2a: {  	[spmem:s15], [sflag:s14] =	dma.local [hbm:s10], $0x2800  }
0x2b: {  	_ =	swait.ge [sflag:s16], $0x2800  }
0x2c: {  	[sflag:s16] =	ssyncset.done $0x0  }
0x2d: {  	[sflag:s16] =	ssyncadd.s32 $0xFFFFD800  }
0x2e: {  	s23 =	sadd.s32 $0x0, s13;
	[bflag:$0x0] =	sbarrier.arrive $0xFFFF  }
0x2f: {  	[tilespmem:s17], [sflag:$0x2] =	stream.linear.gather [hbm4b:s23+s4], $0x50, $0x38;
	[tilespmem:$0x16900] =	vst v63  }
0x30: {  	_ =	swait.ge [sflag:s16], $0x50  }
0x31: {  	[sflag:s16] =	ssyncset.done $0x0  }
0x32: {  	s31 =	sadd.s32 $0x0, s12;
	[sflag:s16] =	ssyncadd.s32 $0xFFFFFFB0  }
0x33: {  	[tilespmem:s18], [sflag:$0x2] =	stream.linear.gather [hbm4b:s31+s4], $0x50, $0x38;
	[tilespmem:$0x16900] =	vst v63  }
0x34: {  	_ =	swait.ge [sflag:s16], $0x50  }
0x35: {  	[sflag:s16] =	ssyncset.done $0x0  }
0x36: {  	[sflag:s16] =	ssyncadd.s32 $0xFFFFFFB0  }
0x37: {  	[tilespmem:s20], [sflag:$0x1] =	stream.indirect.gather [hbm4b:s5+s19], $0x80, s17, s19, $0xb8;
	[tilespmem:$0x16900] =	vst v63  }
0x38: {  	_ =	swait.ge [sflag:s21], $0x2800  }
0x39: {  	[sflag:s21] =	ssyncset.done $0x0  }
0x3a: {  	[sflag:s21] =	ssyncadd.s32 $0xFFFFD800  }
0x3b: {  	[spmem:s3] =	stream.indirect.scatter.add.f32 [tilespmem:s20], [sflag:$0x2], $0x80, s18, s19, $0xb8;
	[tilespmem:$0x16900] =	vst v63  }
0x3c: {  	_ =	swait.ge [sflag:s16], $0x2800  }
0x3d: {  	s24 =	simm.s32 $0x14;
	s23 =	simm.s32 $0xA;
	[sflag:s16] =	ssyncset.done $0x0  }
.LBB2_6:
0x3e: {  	s25 =	sadd.s32 s23, s13  }
0x3f: {  	[sflag:s16] =	ssyncadd.s32 $0xFFFFD800;
	s26 =	smov.u32 s24;
	s28 =	sadd.s32 $0xA, s24  }
0x40: {  	[tilespmem:s17], [sflag:$0x2] =	stream.linear.gather [hbm4b:s25+s4], $0x50, $0x38;
	[tilespmem:$0x16900] =	vst v63  }
0x41: {  	p1 =	sne.s32 s24, $0x4D8;
	_ =	swait.ge [sflag:s16], $0x50  }
0x42: {  	[sflag:s16] =	ssyncset.done $0x0  }
0x43: {  	s24 =	sadd.s32 s23, s12;
	s23 =	smov.u32 s26;
	[sflag:s16] =	ssyncadd.s32 $0xFFFFFFB0  }
0x44: {  	[tilespmem:s18], [sflag:$0x2] =	stream.linear.gather [hbm4b:s24+s4], $0x50, $0x38;
	[tilespmem:$0x16900] =	vst v63  }
0x45: {  	_ =	swait.ge [sflag:s16], $0x50  }
0x46: {  	[sflag:s16] =	ssyncset.done $0x0  }
0x47: {  	[sflag:s16] =	ssyncadd.s32 $0xFFFFFFB0  }
0x48: {  	[tilespmem:s20], [sflag:$0x1] =	stream.indirect.gather [hbm4b:s5+s19], $0x80, s17, s19, $0xb8;
	[tilespmem:$0x16900] =	vst v63  }
0x49: {  	_ =	swait.ge [sflag:s21], $0x2800  }
.Ltmp3:
0x4a: {  	[sflag:s21] =	ssyncset.done $0x0;
	(pc) =	sbr.rel @p1 .LBB2_6-.Ltmp3, $4  }
0x4b: {  	[sflag:s21] =	ssyncadd.s32 $0xFFFFD800  }
0x4c: {  	[spmem:s3] =	stream.indirect.scatter.add.f32 [tilespmem:s20], [sflag:$0x2], $0x80, s18, s19, $0xb8;
	[tilespmem:$0x16900] =	vst v63  }
0x4d: {  	_ =	swait.ge [sflag:s16], $0x2800  }
0x4e: {  	s24 =	smov.u32 s28;
	[sflag:s16] =	ssyncset.done $0x0  }
.Ltmp4:
0x4f: {  	_ = 	snop;
	(pc) =	sbr.rel .LBB2_7-.Ltmp4, $1  }
0x50: {  	_ =	sdelay $0x3  }
.LBB2_2:
0x51: {  	[spmem:s15], [sflag:s14] =	dma.local [hbm:s9], $0x2800  }
0x52: {  	_ =	swait.ge [sflag:s16], $0x2800  }
0x53: {  	[sflag:s16] =	ssyncset.done $0x0  }
0x54: {  	[sflag:s16] =	ssyncadd.s32 $0xFFFFD800  }
0x55: {  	s23 =	sadd.s32 $0x0, s13;
	[bflag:$0x0] =	sbarrier.arrive $0xFFFF  }
0x56: {  	[tilespmem:s17], [sflag:$0x2] =	stream.linear.gather [hbm4b:s23+s4], $0x50, $0x38;
	[tilespmem:$0x16900] =	vst v63  }
0x57: {  	_ =	swait.ge [sflag:s16], $0x50  }
0x58: {  	[sflag:s16] =	ssyncset.done $0x0  }
0x59: {  	s31 =	sadd.s32 $0x0, s12;
	[sflag:s16] =	ssyncadd.s32 $0xFFFFFFB0  }
0x5a: {  	[tilespmem:s18], [sflag:$0x2] =	stream.linear.gather [hbm4b:s31+s4], $0x50, $0x38;
	[tilespmem:$0x16900] =	vst v63  }
0x5b: {  	_ =	swait.ge [sflag:s16], $0x50  }
0x5c: {  	[sflag:s16] =	ssyncset.done $0x0  }
0x5d: {  	[sflag:s16] =	ssyncadd.s32 $0xFFFFFFB0  }
0x5e: {  	[tilespmem:s20], [sflag:$0x1] =	stream.indirect.gather [hbm4b:s1+s19], $0x80, s17, s19, $0xb8;
	[tilespmem:$0x16900] =	vst v63  }
0x5f: {  	_ =	swait.ge [sflag:s21], $0x2800  }
0x60: {  	[sflag:s21] =	ssyncset.done $0x0  }
0x61: {  	[sflag:s21] =	ssyncadd.s32 $0xFFFFD800  }
0x62: {  	[spmem:s3] =	stream.indirect.scatter.add.f32 [tilespmem:s20], [sflag:$0x2], $0x80, s18, s19, $0xb8;
	[tilespmem:$0x16900] =	vst v63  }
0x63: {  	_ =	swait.ge [sflag:s16], $0x2800  }
0x64: {  	s24 =	simm.s32 $0x14;
	s23 =	simm.s32 $0xA;
	[sflag:s16] =	ssyncset.done $0x0  }
.LBB2_3:
0x65: {  	s25 =	sadd.s32 s23, s13  }
0x66: {  	[sflag:s16] =	ssyncadd.s32 $0xFFFFD800;
	s26 =	smov.u32 s24;
	s28 =	sadd.s32 $0xA, s24  }
0x67: {  	[tilespmem:s17], [sflag:$0x2] =	stream.linear.gather [hbm4b:s25+s4], $0x50, $0x38;
	[tilespmem:$0x16900] =	vst v63  }
0x68: {  	p1 =	seq.s32 s24, $0x4D8;
	_ =	swait.ge [sflag:s16], $0x50  }
0x69: {  	[sflag:s16] =	ssyncset.done $0x0  }
0x6a: {  	s24 =	sadd.s32 s23, s12;
	s23 =	smov.u32 s26;
	[sflag:s16] =	ssyncadd.s32 $0xFFFFFFB0  }
0x6b: {  	[tilespmem:s18], [sflag:$0x2] =	stream.linear.gather [hbm4b:s24+s4], $0x50, $0x38;
	[tilespmem:$0x16900] =	vst v63  }
0x6c: {  	_ =	swait.ge [sflag:s16], $0x50  }
0x6d: {  	[sflag:s16] =	ssyncset.done $0x0  }
0x6e: {  	[sflag:s16] =	ssyncadd.s32 $0xFFFFFFB0  }
0x6f: {  	[tilespmem:s20], [sflag:$0x1] =	stream.indirect.gather [hbm4b:s1+s19], $0x80, s17, s19, $0xb8;
	[tilespmem:$0x16900] =	vst v63  }
0x70: {  	_ =	swait.ge [sflag:s21], $0x2800  }
.Ltmp5:
0x71: {  	[sflag:s21] =	ssyncset.done $0x0;
	(pc) =	sbr.rel @!p1 .LBB2_3-.Ltmp5, $4  }
0x72: {  	[sflag:s21] =	ssyncadd.s32 $0xFFFFD800  }
0x73: {  	[spmem:s3] =	stream.indirect.scatter.add.f32 [tilespmem:s20], [sflag:$0x2], $0x80, s18, s19, $0xb8;
	[tilespmem:$0x16900] =	vst v63  }
0x74: {  	_ =	swait.ge [sflag:s16], $0x2800  }
0x75: {  	s24 =	smov.u32 s28;
	[sflag:s16] =	ssyncset.done $0x0  }
0x76: {  	s24 =	sadd.s32 s23, s13;
	[sflag:s16] =	ssyncadd.s32 $0xFFFFD800  }
0x77: {  	[tilespmem:s17], [sflag:$0x2] =	stream.linear.gather [hbm4b:s24+s4], $0x50, $0x38;
	[tilespmem:$0x16900] =	vst v63  }
0x78: {  	_ =	swait.ge [sflag:s16], $0x50  }
0x79: {  	[sflag:s16] =	ssyncset.done $0x0  }
0x7a: {  	s31 =	sadd.s32 s23, s12;
	[sflag:s16] =	ssyncadd.s32 $0xFFFFFFB0  }
0x7b: {  	[tilespmem:s18], [sflag:$0x2] =	stream.linear.gather [hbm4b:s31+s4], $0x50, $0x38;
	[tilespmem:$0x16900] =	vst v63  }
0x7c: {  	_ =	swait.ge [sflag:s16], $0x50  }
0x7d: {  	[sflag:s16] =	ssyncset.done $0x0  }
0x7e: {  	[sflag:s16] =	ssyncadd.s32 $0xFFFFFFB0  }
0x7f: {  	[tilespmem:s20], [sflag:$0x1] =	stream.indirect.gather [hbm4b:s1+s19], $0x80, s17, s19, $0xb8;
	[tilespmem:$0x16900] =	vst v63  }
0x80: {  	_ =	swait.ge [sflag:s21], $0x2800  }
0x81: {  	[sflag:s21] =	ssyncset.done $0x0  }
.Ltmp6:
0x82: {  	[sflag:s21] =	ssyncadd.s32 $0xFFFFD800;
	(pc) =	sbr.rel .LBB2_8-.Ltmp6, $4  }
0x83: {  	[spmem:s3] =	stream.indirect.scatter.add.f32 [tilespmem:s20], [sflag:$0x2], $0x80, s18, s19, $0xb8;
	[tilespmem:$0x16900] =	vst v63  }
0x84: {  	_ =	swait.ge [sflag:s16], $0x2800  }
0x85: {  	[sflag:s16] =	ssyncset.done $0x0  }
0x86: {  	s23 =	smov.u32 s6;
	[sflag:s16] =	ssyncadd.s32 $0xFFFFD800  }
.LBB2_9:
0x87: {  	_ =	sfence.sel $0x180000  }
0x88: {  	[bflag:$0x0] =	sbarrier.arrive $0xFFFF  }
0x89: {  	p0 =	sne.s32 s2, $0x0;
	_ =	strace $0x9000004D  }
0x8a: {  	s0 =	sadd.s32 @!p0 $0x100000, s0;
	[bflag:$0x2] =	sbarrier.arrive $0xFFFF  }
0x8b: {  	[sflag:s0] =	ssyncadd.tile.s32 @!p0 $0x1;
	_ =	shalt  }
.Lfunc_end2:
_tile_overlayer_lowered:
.L_overlay_start_2:
0x8c: {  	(tag) =	ssettag $0x2  }
0x8d: {  	s0 =	rddreg [dreg:$0x0];
	s2 =	stileid.u32  }
0x8e: {  	s1 =	rddreg [dreg:$0x1];
	p0 =	sne.s32 s2, $0x0  }
0x8f: {  	s3 =	rddreg [dreg:$0x2];
	[bflag:$0x3] =	sbarrier.arrive $0xFFFF;
	s2 =	simm.s32 @!p0 $0x1C02  }
0x90: {  	[timem:s3], [sflag:s2] =	dma.local @!p0 [hbm:s0], s1  }
0x91: {  	s0 =	simm.s32 @!p0 $0x2  }
0x92: {  	_ =	swait.ge @!p0 [sflag:s0], s1  }
0x93: {  	s1 =	ssub.s32 @!p0 $0x0, s1;
	[sflag:s0] =	ssyncset.done @!p0 $0x0  }
0x94: {  	[sflag:s0] =	ssyncadd.s32 @!p0 s1  }
0x95: {  	[bflag:$0x3] =	sbarrier.arrive $0xFFFF  }
0x96: {  	_ =	shalt  }

// kernel: kernel.8.cloned.1.call-start
scs
__scs_entry_jumppad:
0x0: {  	(pc) =	sbr.rel $0x88, $3  }
0x1: {  	(tag) =	ssettag $0x0;
	lr =	simm.s32 $0x1  }
0x2: {  	[smem:$0x3F9B] =	sst lr;
	_ =	strace $0xD0000000  }
0x3: {  	_ = 	snop  }
0x4: {  	_ = 	snop  }
0x5: {  	_ = 	snop  }
0x6: {  	_ = 	snop  }
0x7: {  	_ = 	snop  }
__scs_overlays_trampoline_lowered:
0x8: {  	[smem:$0x3FAA] =	sst s0  }
0x9: {  	[smem:$0x3FAB] =	sst s1  }
0xa: {  	[smem:$0x3FAC] =	sst s2  }
0xb: {  	[smem:$0x3FAD] =	sst s3  }
0xc: {  	[smem:$0x3FAE] =	sst s4  }
0xd: {  	[smem:$0x3FAF] =	sst s5  }
0xe: {  	[smem:$0x3FB0] =	sst s6  }
0xf: {  	[smem:$0x3FB1] =	sst s7  }
0x10: {  	[smem:$0x3FB2] =	sst s8  }
0x11: {  	[smem:$0x3FB3] =	sst s9;
	s0 =	simm.s32 @!p0 $0x0  }
0x12: {  	s1 =	sld [smem:$0x3F99];
	s0 =	simm.s32 @p0 $0x1  }
0x13: {  	[smem:$0x3FB4] =	sst s0;
	s0 =	simm.s32 @!p1 $0x0  }
0x14: {  	s2 =	sld [smem:$0x3F98];
	s0 =	simm.s32 @p1 $0x1  }
0x15: {  	[smem:$0x3FB5] =	sst s0;
	s0 =	simm.s32 @!p2 $0x0  }
0x16: {  	s3 =	sld [smem:$0x3FDB];
	s0 =	simm.s32 @p2 $0x1  }
0x17: {  	s4 =	simm.s32 $0x1BF5;
	[smem:$0x3FB7] =	sst s0  }
0x18: {  	s0 =	sld [smem:$0x3F9A];
	_ =	swait.ge [sflag:s4], $0x0  }
0x19: {  	s7 =	sld [smem:$0x3F9B]  }
0x1a: {  	s8 =	sadd.s32 $0xFFFFE003, lr  }
0x1b: {  	s9 =	sadd.s32 $0xFFFFFEF7, lr;
	s5 =	simm.s32 $0xFFFFFFFF;
	p2 =	slt.u32 s8, $0xFFFFF086  }
0x1c: {  	p1 =	slt.u32 s9, $0xF7A;
	s5 =	simm.s32 @!p2 $0x0  }
0x1d: {  	s5 =	simm.s32 @p1 $0x1;
	p0 =	seq.s32 s7, s2  }
0x1e: {  	s7 =	smul.u32 @!p0 $0xF7A, s2;
	p2 =	seq.s32 @!p0 s5, $0x0  }
0x1f: {  	s9 =	smul.u32 $0xF7A, s1;
	s8 =	simm.s32 @!p0 $0x1BF5;
	p2 =	por !p2, p0  }
0x20: {  	[sflag:s8] =	ssyncset.s32 @!p0 $0xFFFFF086;
	s6 =	sadd.s32 @!p0 s3, s7;
	s7 =	simm.s32 @!p0 $0x108  }
0x21: {  	s3 =	sadd.s32 s3, s9;
	s6 =	sadd.s32 @!p0 $0x88, s6;
	s7 =	simm.s32 @p2 $0x1082  }
0x22: {  	[simem:s7], [sflag:s8] =	dma.local @!p0 [hbm:s6], $0xF7A  }
0x23: {  	s9 =	sor.u32 $0xD0000000, s2;
	s6 =	simm.s32 $0x108;
	_ =	swait.ge @!p0 [sflag:s8], $0x0  }
0x24: {  	s3 =	sadd.s32 $0x88, s3;
	s6 =	simm.s32 @!p1 $0x1082;
	[sflag:s4] =	ssyncset.s32 $0xFFFFF086  }
0x25: {  	[simem:s6], [sflag:s4] =	dma.local [hbm:s3], $0xF7A  }
0x26: {  	[smem:$0x3F9B] =	sst s1;
	(tag) =	ssettag s2;
	_ =	strace s9  }
0x27: {  	s1 =	sld [smem:$0x3FAB]  }
0x28: {  	s2 =	sld [smem:$0x3FAC]  }
0x29: {  	s4 =	sld [smem:$0x3FAE]  }
0x2a: {  	p0 =	seq.s32 s5, $0x0;
	s5 =	sld [smem:$0x3FAF]  }
0x2b: {  	s6 =	sld [smem:$0x3FB0]  }
0x2c: {  	s7 =	sld [smem:$0x3FB1]  }
0x2d: {  	s3 =	simm.s32 $0x108;
	s8 =	sld [smem:$0x3FB2]  }
0x2e: {  	s3 =	simm.s32 @!p0 $0x1082;
	s9 =	sld [smem:$0x3FB3]  }
0x2f: {  	lr =	sadd.s32 s0, s3;
	s0 =	sld [smem:$0x3FAA]  }
0x30: {  	s3 =	sld [smem:$0x3FAD]  }
0x31: {  	[smem:$0x3FB6] =	sst s10  }
0x32: {  	s10 =	sld [smem:$0x3FB4];
	_ =	sdelay $0x3  }
0x33: {  	p0 =	seq.s32 s10, $0x1;
	s10 =	sld [smem:$0x3FB6];
	_ =	sdelay $0x3  }
0x34: {  	[smem:$0x3FB6] =	sst s10  }
0x35: {  	s10 =	sld [smem:$0x3FB5];
	_ =	sdelay $0x3  }
0x36: {  	p1 =	seq.s32 s10, $0x1;
	s10 =	sld [smem:$0x3FB6];
	_ =	sdelay $0x3  }
0x37: {  	[smem:$0x3FB6] =	sst s10  }
0x38: {  	s10 =	sld [smem:$0x3FB7]  }
0x39: {  	_ = 	snop;
	(pc) =	sbr.ind lr, $3  }
0x3a: {  	_ = 	snop  }
0x3b: {  	_ = 	snop  }
0x3c: {  	p2 =	seq.s32 s10, $0x1;
	s10 =	sld [smem:$0x3FB6]  }
0x3d: {  	_ =	shalt  }
0x3e: {  	_ =	shalt  }
0x3f: {  	_ =	shalt  }
0x40: {  	_ =	shalt  }
0x41: {  	_ =	shalt  }
0x42: {  	_ =	shalt  }
0x43: {  	_ =	shalt  }
0x44: {  	_ =	shalt  }
0x45: {  	_ =	shalt  }
0x46: {  	_ =	shalt  }
0x47: {  	_ =	shalt  }
0x48: {  	_ =	shalt  }
0x49: {  	_ =	shalt  }
0x4a: {  	_ =	shalt  }
0x4b: {  	_ =	shalt  }
0x4c: {  	_ =	shalt  }
0x4d: {  	_ =	shalt  }
0x4e: {  	_ =	shalt  }
0x4f: {  	_ =	shalt  }
0x50: {  	_ =	shalt  }
0x51: {  	_ =	shalt  }
0x52: {  	_ =	shalt  }
0x53: {  	_ =	shalt  }
0x54: {  	_ =	shalt  }
0x55: {  	_ =	shalt  }
0x56: {  	_ =	shalt  }
0x57: {  	_ =	shalt  }
0x58: {  	_ =	shalt  }
0x59: {  	_ =	shalt  }
0x5a: {  	_ =	shalt  }
0x5b: {  	_ =	shalt  }
0x5c: {  	_ =	shalt  }
0x5d: {  	_ =	shalt  }
0x5e: {  	_ =	shalt  }
0x5f: {  	_ =	shalt  }
0x60: {  	_ =	shalt  }
0x61: {  	_ =	shalt  }
0x62: {  	_ =	shalt  }
0x63: {  	_ =	shalt  }
0x64: {  	_ =	shalt  }
0x65: {  	_ =	shalt  }
0x66: {  	_ =	shalt  }
0x67: {  	_ =	shalt  }
0x68: {  	_ =	shalt  }
0x69: {  	_ =	shalt  }
0x6a: {  	_ =	shalt  }
0x6b: {  	_ =	shalt  }
0x6c: {  	_ =	shalt  }
0x6d: {  	_ =	shalt  }
0x6e: {  	_ =	shalt  }
0x6f: {  	_ =	shalt  }
0x70: {  	_ =	shalt  }
0x71: {  	_ =	shalt  }
0x72: {  	_ =	shalt  }
0x73: {  	_ =	shalt  }
0x74: {  	_ =	shalt  }
0x75: {  	_ =	shalt  }
0x76: {  	_ =	shalt  }
0x77: {  	_ =	shalt  }
0x78: {  	_ =	shalt  }
0x79: {  	_ =	shalt  }
0x7a: {  	_ =	shalt  }
0x7b: {  	_ =	shalt  }
0x7c: {  	_ =	shalt  }
0x7d: {  	_ =	shalt  }
0x7e: {  	_ =	shalt  }
0x7f: {  	_ =	shalt  }
0x80: {  	_ =	shalt  }
0x81: {  	_ =	shalt  }
0x82: {  	_ =	shalt  }
0x83: {  	_ =	shalt  }
0x84: {  	_ =	shalt  }
0x85: {  	_ =	shalt  }
0x86: {  	_ =	shalt  }
0x87: {  	_ =	shalt  }
.Lfunc_end0:
.L_simem_size_0:
called_computation_lowered:
.L_overlay_start_0:
0x88: {  	s2 =	sld [smem:$0x3FD9]  }
0x89: {  	s3 =	sld [smem:$0x3FFE];
	_ =	sdelay $0x1  }
0x8a: {  	s1 =	srdreg.scid  }
0x8b: {  	s0 =	sand.u32 $0x1, s1  }
0x8c: {  	s17 =	sshll.u32 s0, $0xA;
	s2 =	sadd.s32 s3, s2  }
0x8d: {  	s2 =	sadd.s32 s2, s17  }
0x8e: {  	[smem:$0x3FC2] =	sst s2  }
0x8f: {  	_ = 	snop  }
0x90: {  	s2 =	sld [smem:$0x3FD0];
	(tm) =	ssettm $0x1  }
0x91: {  	s18 =	sld [smem:$0x3FFB];
	_ =	sdelay $0x3  }
0x92: {  	_ =	strace s18  }
0x93: {  	s3 =	sld [smem:$0x3FFC];
	_ =	sdelay $0x3  }
0x94: {  	_ =	strace s3  }
0x95: {  	s3 =	sld [smem:$0x3FFD];
	_ =	sdelay $0x3  }
0x96: {  	_ =	strace s3  }
0x97: {  	_ =	strace $0x8FFFFFFF  }
0x98: {  	s19 =	sld [smem:$0x3FDB];
	_ =	sdelay $0x1  }
0x99: {  	s4 =	simm.s32 $_scs_section_size  }
0x9a: {  	s5 =	simm.s32 $_size__tile_overlayer_lowered;
	s6 =	simm.s32 $_tile_overlayer_lowered  }
0x9b: {  	s22 =	simm.s32 $0x1BFF;
	s21 =	sshll.u32 s6, $0x1;
	s3 =	sadd.s32 s4, s19  }
0x9c: {  	s7 =	simm.s32 $0x0;
	s20 =	sshll.u32 s5, $0x1;
	s5 =	sadd.s32 s21, s3  }
0x9d: {  	[timem:s7], [sflag:s22] =	dma.local [hbm:s5], s20  }
0x9e: {  	_ =	swait.ge [sflag:s22], s20  }
0x9f: {  	s4 =	ssub.s32 $0x0, s20;
	[sflag:s22] =	ssyncset.done $0x0  }
0xa0: {  	[sflag:s22] =	ssyncadd.s32 s4;
	_ =	sdelay $0x1  }
0xa1: {  	s23 =	simm.s32 $0x1B8B  }
0xa2: {  	_ =	swait.ge [sflag:s23], $0x1  }
0xa3: {  	[sflag:s23] =	ssyncset.done $0x0  }
0xa4: {  	s25 =	simm.s32 $0x1B8E;
	s24 =	sld [smem:$0x3FFE];
	[sflag:s23] =	ssyncadd.s32 $0xFFFFFFFF  }
0xa5: {  	s26 =	simm.s32 $execute0_lowered;
	[smem:$0x3FD2] =	sst s25  }
0xa6: {  	s5 =	sshll.u32 s26, $0x1;
	_ =	strace $0x80000046;
	[dreg:$0x1] =	wrdreg $0xFFFFFFFF  }
0xa7: {  	s28 =	simm.s32 $_size_execute0_lowered;
	s3 =	sadd.s32 s3, s5;
	[dreg:$0x0] =	wrdreg $0x0  }
0xa8: {  	s5 =	sshll.u32 s28, $0x1;
	[dreg:$0x2] =	wrdreg s3  }
0xa9: {  	[dreg:$0x3] =	wrdreg s5  }
0xaa: {  	[dreg:$0x4] =	wrdreg $0xC0  }
0xab: {  	_ =	task [dreg:s7], $0x5FFFF  }
0xac: {  	[dreg:$0x1] =	wrdreg $0xFFFFFFFF  }
0xad: {  	[dreg:$0x0] =	wrdreg $0x60  }
0xae: {  	[dreg:$0x2] =	wrdreg s24  }
0xaf: {  	[dreg:$0x3] =	wrdreg s2  }
0xb0: {  	[dreg:$0x4] =	wrdreg $0x0  }
0xb1: {  	[dreg:$0x5] =	wrdreg $0x9  }
0xb2: {  	_ =	task.clear_ibuf [dreg:s7], $0x6FFFF;
	_ =	strace $0x90000046  }
0xb3: {  	s29 =	simm.s32 $0x9;
	_ =	strace $0x80000048  }
0xb4: {  	_ =	swait.ge [sflag:s29], $0x1  }
0xb5: {  	[sflag:s29] =	ssyncadd.s32 $0xFFFFFFFF  }
0xb6: {  	_ =	strace $0x90000048  }
0xb7: {  	_ =	sfence  }
0xb8: {  	s30 =	sld [smem:$0x0];
	_ =	sdelay $0x2  }
0xb9: {  	s31 =	sshll.u32 s1, $0xD;
	s1 =	sshrl.u32 s1, $0x2  }
0xba: {  	s3 =	sand.u32 $0x4000, s31;
	s1 =	sadd.s32 s1, s30  }
0xbb: {  	s0 =	sor.u32 s3, s0;
	s1 =	sshll.u32 s1, $0x11  }
0xbc: {  	s0 =	sor.u32 s1, s0  }
0xbd: {  	s0 =	sadd.s32 $0x8F2B, s0  }
0xbe: {  	[sflag:s0] =	ssyncadd.remote.s32 $0x1  }
0xbf: {  	_ =	sfence.sel $0xFFFF  }
0xc0: {  	[dreg:$0x0] =	wrdreg $0xFFFFFFFF;
	(pc) =	sbr.abs _section_cstart, $3  }
0xc1: {  	[dreg:$0x1] =	wrdreg $0xFFFFFFFF  }
0xc2: {  	_ =	task.clear_ibuf [dreg:s7], $0x2FFFF;
	_ =	strace $0x9FFFFFFF  }
0xc3: {  	(tm) =	ssettm $0x7FFFFFFF  }
tec
execute0_lowered:
.L_overlay_start_1:
0x0: {  	(tag) =	ssettag $0x1  }
0x1: {  	s7 =	rddreg [dreg:$0x0]  }
0x2: {  	s8 =	rddreg [dreg:$0x1]  }
0x3: {  	s2 =	rddreg [dreg:$0x2]  }
0x4: {  	s1 =	stileid.u32;
	s0 =	rddreg [dreg:$0x3];
	s3 =	simm.s32 $0x0  }
0x5: {  	s5 =	srdreg.scid;
	s16 =	simm.s32 $0x14000;
	s17 =	simm.s32 $0x50  }
0x6: {  	s18 =	simm.s32 $0x0;
	s4 =	smul.u32 $0x4E2, s1;
	[smem:$0x7FF] =	sst s3  }
0x7: {  	s9 =	sand.u32 $0x1, s5;
	s10 =	smul.u32 $0x50000, s1;
	s5 =	sadd.s32 $0xE800, s7  }
0x8: {  	s6 =	smul.u32 $0x2800, s1;
	s14 =	sshll.u32 s1, $0x6;
	_ =	strace $0x80000047  }
0x9: {  	s12 =	ssub.s32 $0x2, s9;
	p0 =	seq.s32 s9, $0x1;
	s14 =	sor.u32 $0x1C01, s14  }
.Ltmp0:
0xa: {  	s11 =	sadd.s32 s4, s7;
	s4 =	sadd.s32 $0xE200, s7;
	(pc) =	sbr.rel .LBB2_1-.Ltmp0, $4  }
0xb: {  	s7 =	sadd.s32 $0x36800, s7;
	s13 =	sshrl.u32 s12, $0x1;
	s10 =	sshrl.u32 s10, $0x2  }
0xc: {  	s8 =	sadd.s32 s8, s6;
	s12 =	ssub.s32 s12, s13;
	s15 =	sadd.s32 s10, s2  }
0xd: {  	s10 =	sadd.s32 $0x9200, s11;
	s11 =	sadd.s32 $0x4200, s11;
	s13 =	simm.s32 $0x1  }
0xe: {  	s9 =	smax.u32 s12, $0x1;
	s12 =	simm.s32 $0x14080;
	s15 =	sshrl.u32 s15, $0x3  }
.LBB2_7:
0xf: {  	s19 =	sadd.s32 s19, s11;
	[sflag:s13] =	ssyncadd.s32 $0xFFFFD800  }
0x10: {  	[tilespmem:s16], [sflag:$0x1] =	stream.linear.gather [hbm4b:s19+s3], $0x50, $0x38;
	[tilespmem:$0x16880] =	vst v63  }
0x11: {  	_ =	swait.ge [sflag:s13], $0x50  }
0x12: {  	[sflag:s13] =	ssyncset.done $0x0  }
0x13: {  	[sflag:s13] =	ssyncadd.s32 $0xFFFFFFB0  }
0x14: {  	[spmem:s2] =	stream.indirect.scatter.add.f32 [tilespmem:s12], [sflag:$0x1], $0x80, s16, s17, $0xb8;
	[tilespmem:$0x16880] =	vst v63  }
0x15: {  	_ =	swait.ge [sflag:s13], $0x2800  }
0x16: {  	[sflag:s13] =	ssyncset.done $0x0  }
0x17: {  	s19 =	smov.u32 s7;
	[sflag:s13] =	ssyncadd.s32 $0xFFFFD800  }
.LBB2_8:
0x18: {  	s18 =	sadd.s32 $0x1, s18  }
0x19: {  	p1 =	sne.s32 s18, s9  }
.Ltmp1:
0x1a: {  	s19 =	sadd.s32 s19, s6;
	[bflag:$0x0] =	sbarrier.arrive $0xFFFF;
	(pc) =	sbr.rel @!p1 .LBB2_9-.Ltmp1, $4  }
0x1b: {  	[hbm:s19], [sflag:s14] =	dma.local [spmem:s15], $0x2800  }
0x1c: {  	_ =	swait.ge [sflag:s13], $0x2800  }
0x1d: {  	[sflag:s13] =	ssyncset.done $0x0  }
0x1e: {  	[sflag:s13] =	ssyncadd.s32 $0xFFFFD800  }
.LBB2_1:
0x1f: {  	[tilespmem:s12], [sflag:$0x1] =	stream.linear.gather [hbm4b:s4+s3], $0x2800, $0x38;
	[tilespmem:$0x16880] =	vst v63  }
0x20: {  	_ =	swait.ge [sflag:s13], $0x2800  }
0x21: {  	[sflag:s13] =	ssyncset.done $0x0  }
0x22: {  	[sflag:s13] =	ssyncadd.s32 $0xFFFFD800  }
0x23: {  	[spmem:s15], [sflag:s14] =	dma.local [hbm:s8], $0x2800  }
.Ltmp2:
0x24: {  	_ =	swait.ge [sflag:s13], $0x2800;
	(pc) =	sbr.rel @!p0 .LBB2_2-.Ltmp2, $3  }
0x25: {  	[sflag:s13] =	ssyncset.done $0x0  }
0x26: {  	[sflag:s13] =	ssyncadd.s32 $0xFFFFD800  }
0x27: {  	[bflag:$0x0] =	sbarrier.arrive $0xFFFF;
	_ =	sdelay $0x1  }
0x28: {  	s19 =	sadd.s32 $0x0, s11  }
0x29: {  	[tilespmem:s16], [sflag:$0x1] =	stream.linear.gather [hbm4b:s19+s3], $0x50, $0x38;
	[tilespmem:$0x16880] =	vst v63  }
0x2a: {  	_ =	swait.ge [sflag:s13], $0x50  }
0x2b: {  	[sflag:s13] =	ssyncset.done $0x0  }
0x2c: {  	[sflag:s13] =	ssyncadd.s32 $0xFFFFFFB0  }
0x2d: {  	[spmem:s2] =	stream.indirect.scatter.add.f32 [tilespmem:s12], [sflag:$0x1], $0x80, s16, s17, $0xb8;
	[tilespmem:$0x16880] =	vst v63  }
0x2e: {  	_ =	swait.ge [sflag:s13], $0x2800  }
0x2f: {  	s20 =	simm.s32 $0x14;
	s19 =	simm.s32 $0xA;
	[sflag:s13] =	ssyncset.done $0x0  }
.LBB2_6:
0x30: {  	s21 =	sadd.s32 s19, s11  }
0x31: {  	[sflag:s13] =	ssyncadd.s32 $0xFFFFD800;
	s19 =	smov.u32 s20;
	s22 =	sadd.s32 $0xA, s20  }
0x32: {  	[tilespmem:s16], [sflag:$0x1] =	stream.linear.gather [hbm4b:s21+s3], $0x50, $0x38;
	[tilespmem:$0x16880] =	vst v63  }
0x33: {  	p1 =	sne.s32 s20, $0x4D8;
	_ =	swait.ge [sflag:s13], $0x50  }
.Ltmp3:
0x34: {  	[sflag:s13] =	ssyncset.done $0x0;
	(pc) =	sbr.rel @p1 .LBB2_6-.Ltmp3, $4  }
0x35: {  	[sflag:s13] =	ssyncadd.s32 $0xFFFFFFB0  }
0x36: {  	[spmem:s2] =	stream.indirect.scatter.add.f32 [tilespmem:s12], [sflag:$0x1], $0x80, s16, s17, $0xb8;
	[tilespmem:$0x16880] =	vst v63  }
0x37: {  	_ =	swait.ge [sflag:s13], $0x2800  }
0x38: {  	s20 =	smov.u32 s22;
	[sflag:s13] =	ssyncset.done $0x0  }
.Ltmp4:
0x39: {  	_ = 	snop;
	(pc) =	sbr.rel .LBB2_7-.Ltmp4, $1  }
0x3a: {  	_ =	sdelay $0x3  }
.LBB2_2:
0x3b: {  	s19 =	sadd.s32 $0x0, s10  }
0x3c: {  	[tilespmem:s16], [sflag:$0x1] =	stream.linear.gather [hbm4b:s19+s3], $0x50, $0x38;
	[tilespmem:$0x16880] =	vst v63  }
0x3d: {  	_ =	swait.ge [sflag:s13], $0x50  }
0x3e: {  	[sflag:s13] =	ssyncset.done $0x0  }
0x3f: {  	[sflag:s13] =	ssyncadd.s32 $0xFFFFFFB0  }
0x40: {  	[spmem:s2] =	stream.indirect.scatter.add.f32 [tilespmem:s12], [sflag:$0x1], $0x80, s16, s17, $0xb8;
	[tilespmem:$0x16880] =	vst v63  }
0x41: {  	_ =	swait.ge [sflag:s13], $0x2800  }
0x42: {  	s20 =	simm.s32 $0x14;
	s19 =	simm.s32 $0xA;
	[sflag:s13] =	ssyncset.done $0x0  }
.LBB2_3:
0x43: {  	s21 =	sadd.s32 s19, s10  }
0x44: {  	[sflag:s13] =	ssyncadd.s32 $0xFFFFD800;
	s19 =	smov.u32 s20;
	s22 =	sadd.s32 $0xA, s20  }
0x45: {  	[tilespmem:s16], [sflag:$0x1] =	stream.linear.gather [hbm4b:s21+s3], $0x50, $0x38;
	[tilespmem:$0x16880] =	vst v63  }
0x46: {  	p1 =	seq.s32 s20, $0x4D8;
	_ =	swait.ge [sflag:s13], $0x50  }
.Ltmp5:
0x47: {  	[sflag:s13] =	ssyncset.done $0x0;
	(pc) =	sbr.rel @!p1 .LBB2_3-.Ltmp5, $4  }
0x48: {  	[sflag:s13] =	ssyncadd.s32 $0xFFFFFFB0  }
0x49: {  	[spmem:s2] =	stream.indirect.scatter.add.f32 [tilespmem:s12], [sflag:$0x1], $0x80, s16, s17, $0xb8;
	[tilespmem:$0x16880] =	vst v63  }
0x4a: {  	_ =	swait.ge [sflag:s13], $0x2800  }
0x4b: {  	s20 =	smov.u32 s22;
	[sflag:s13] =	ssyncset.done $0x0  }
0x4c: {  	s19 =	sadd.s32 s19, s10;
	[sflag:s13] =	ssyncadd.s32 $0xFFFFD800  }
0x4d: {  	[tilespmem:s16], [sflag:$0x1] =	stream.linear.gather [hbm4b:s19+s3], $0x50, $0x38;
	[tilespmem:$0x16880] =	vst v63  }
0x4e: {  	_ =	swait.ge [sflag:s13], $0x50  }
0x4f: {  	[sflag:s13] =	ssyncset.done $0x0  }
.Ltmp6:
0x50: {  	[sflag:s13] =	ssyncadd.s32 $0xFFFFFFB0;
	(pc) =	sbr.rel .LBB2_8-.Ltmp6, $4  }
0x51: {  	[spmem:s2] =	stream.indirect.scatter.add.f32 [tilespmem:s12], [sflag:$0x1], $0x80, s16, s17, $0xb8;
	[tilespmem:$0x16880] =	vst v63  }
0x52: {  	_ =	swait.ge [sflag:s13], $0x2800  }
0x53: {  	[sflag:s13] =	ssyncset.done $0x0  }
0x54: {  	s19 =	smov.u32 s5;
	[sflag:s13] =	ssyncadd.s32 $0xFFFFD800  }
.LBB2_9:
0x55: {  	_ =	sfence.sel $0x180000  }
0x56: {  	[bflag:$0x0] =	sbarrier.arrive $0xFFFF  }
0x57: {  	p0 =	sne.s32 s1, $0x0;
	_ =	strace $0x90000047  }
0x58: {  	s0 =	sadd.s32 @!p0 $0x100000, s0;
	[bflag:$0x2] =	sbarrier.arrive $0xFFFF  }
0x59: {  	[sflag:s0] =	ssyncadd.tile.s32 @!p0 $0x1;
	_ =	shalt  }
.Lfunc_end2:
_tile_overlayer_lowered:
.L_overlay_start_2:
0x5a: {  	(tag) =	ssettag $0x2  }
0x5b: {  	s0 =	rddreg [dreg:$0x0];
	s2 =	stileid.u32  }
0x5c: {  	s1 =	rddreg [dreg:$0x1];
	p0 =	sne.s32 s2, $0x0  }
0x5d: {  	s3 =	rddreg [dreg:$0x2];
	[bflag:$0x3] =	sbarrier.arrive $0xFFFF;
	s2 =	simm.s32 @!p0 $0x1C01  }
0x5e: {  	[timem:s3], [sflag:s2] =	dma.local @!p0 [hbm:s0], s1  }
0x5f: {  	s0 =	simm.s32 @!p0 $0x1  }
0x60: {  	_ =	swait.ge @!p0 [sflag:s0], s1  }
0x61: {  	s1 =	ssub.s32 @!p0 $0x0, s1;
	[sflag:s0] =	ssyncset.done @!p0 $0x0  }
0x62: {  	[sflag:s0] =	ssyncadd.s32 @!p0 s1  }
0x63: {  	[bflag:$0x3] =	sbarrier.arrive $0xFFFF  }
0x64: {  	_ =	shalt  }

</sc_bundles>
